<compile_context>
chip_gen: v7x
topology: tpu7x:2x2x1
jax: 0.10.2.dev20260603
libtpu: 0.0.44.dev20260713+nightly
codegen_flags: <defaults>
</compile_context>

<pallas_src>
import jax
import jax.numpy as jnp
from jax import lax
from jax.experimental import pallas as pl
from jax.experimental.pallas import tpu as pltpu
from jax.experimental.pallas import tpu_sc as plsc

B, C, H, W, K = 16, 80, 128, 128, 128
HW = H * W
HM_ELEMS = B * C * H * W
LANES = 128
ROWS = HM_ELEMS // LANES
BLOCK_ROWS = 8192
GRID = ROWS // BLOCK_ROWS

NC, NS, L = 1, 16, 16
NW = NC * NS
K_PER_W = (B * K) // NW
VREGS = K_PER_W // L

HM_WEIGHT = 1.0
WH_WEIGHT = 0.1


def _mse_body(a_ref, b_ref, out_ref, acc_ref):
    i = pl.program_id(0)

    @pl.when(i == 0)
    def _init():
        acc_ref[...] = jnp.zeros_like(acc_ref)

    d = a_ref[...] - b_ref[...]
    acc_ref[...] += jnp.sum((d * d).reshape(BLOCK_ROWS // 8, 8, LANES), axis=0)

    @pl.when(i == GRID - 1)
    def _fin():
        out_ref[0, 0] = jnp.sum(acc_ref[...])


def _sc_body(wh_hbm, ind_hbm, msk_hbm, tgt_hbm, out_hbm, idx_v, msk_v,
             addrx_v, addry_v, predx_v, predy_v, tgt_v, res_v,
             sem_i, sem_m, sem_t, sem_gx, sem_gy):
    wid = lax.axis_index("s") * NC + lax.axis_index("c")
    g0 = wid * K_PER_W

    cp_i = pltpu.async_copy(ind_hbm.at[pl.ds(g0, K_PER_W)], idx_v, sem_i)
    cp_m = pltpu.async_copy(msk_hbm.at[pl.ds(g0, K_PER_W)], msk_v, sem_m)
    cp_t = pltpu.async_copy(
        tgt_hbm.at[pl.ds(2 * g0, 2 * K_PER_W)], tgt_v, sem_t)
    cp_i.wait()

    for i in range(VREGS):
        lane_g = g0 + i * L + lax.iota(jnp.int32, L)
        base = (lane_g >> 7) * (2 * HW)
        idx = idx_v[pl.ds(i * L, L)]
        addrx_v[pl.ds(i * L, L)] = base + idx
        addry_v[pl.ds(i * L, L)] = base + HW + idx

    cp_gx = pltpu.async_copy(wh_hbm.at[addrx_v], predx_v, sem_gx)
    cp_gy = pltpu.async_copy(wh_hbm.at[addry_v], predy_v, sem_gy)
    cp_m.wait()
    cp_t.wait()
    cp_gx.wait()
    cp_gy.wait()

    acc = jnp.zeros((L,), jnp.float32)
    cnt = jnp.zeros((L,), jnp.float32)
    for i in range(VREGS):
        mskf = msk_v[pl.ds(i * L, L)].astype(jnp.float32)
        px = predx_v[pl.ds(i * L, L)]
        py = predy_v[pl.ds(i * L, L)]
        tbase = lax.iota(jnp.int32, L) * 2 + i * 2 * L
        tx = plsc.load_gather(tgt_v, [tbase])
        ty = plsc.load_gather(tgt_v, [tbase + 1])
        acc = acc + mskf * (jnp.abs(px - tx) + jnp.abs(py - ty))
        cnt = cnt + mskf

    res_v[0, :] = acc
    res_v[1, :] = cnt
    pltpu.sync_copy(res_v, out_hbm.at[wid])


def _combine_body(mse_ref, sc_ref, loss_ref, hm_ref, wh_ref):
    hm = mse_ref[0, 0] / HM_ELEMS
    part = sc_ref[...]
    l1 = jnp.sum(part[:, 0, :])
    cnt = jnp.sum(part[:, 1, :]) * 2.0
    wh = l1 / (cnt + 0.0001)
    hm_ref[0, 0] = hm
    wh_ref[0, 0] = wh
    loss_ref[0, 0] = HM_WEIGHT * hm + WH_WEIGHT * wh


def kernel(in_hm, out_hm, in_wh, out_wh, reg_mask, ind):
    a = in_hm.reshape(ROWS, LANES)
    b = out_hm.reshape(ROWS, LANES)

    sc_gather = pl.kernel(
        _sc_body,
        out_type=jax.ShapeDtypeStruct((NW, 2, L), jnp.float32),
        mesh=plsc.VectorSubcoreMesh(
            core_axis_name="c", subcore_axis_name="s", num_cores=NC),
        scratch_types=[
            pltpu.VMEM((K_PER_W,), jnp.int32),
            pltpu.VMEM((K_PER_W,), jnp.int32),
            pltpu.VMEM((K_PER_W,), jnp.int32),
            pltpu.VMEM((K_PER_W,), jnp.int32),
            pltpu.VMEM((K_PER_W,), jnp.float32),
            pltpu.VMEM((K_PER_W,), jnp.float32),
            pltpu.VMEM((2 * K_PER_W,), jnp.float32),
            pltpu.VMEM((2, L), jnp.float32),
            pltpu.SemaphoreType.DMA,
            pltpu.SemaphoreType.DMA,
            pltpu.SemaphoreType.DMA,
            pltpu.SemaphoreType.DMA,
            pltpu.SemaphoreType.DMA,
        ],
        compiler_params=pltpu.CompilerParams(needs_layout_passes=False),
    )
    sc_part = sc_gather(
        out_wh.reshape(B * 2 * HW),
        ind.reshape(B * K),
        reg_mask.reshape(B * K),
        in_wh.reshape(B * 2 * K),
    )

    mse_sum = pl.pallas_call(
        _mse_body,
        grid=(GRID,),
        in_specs=[
            pl.BlockSpec((BLOCK_ROWS, LANES), lambda i: (i, 0)),
            pl.BlockSpec((BLOCK_ROWS, LANES), lambda i: (i, 0)),
        ],
        out_specs=pl.BlockSpec(memory_space=pltpu.SMEM),
        out_shape=jax.ShapeDtypeStruct((1, 1), jnp.float32),
        scratch_shapes=[pltpu.VMEM((8, LANES), jnp.float32)],
        compiler_params=pltpu.CompilerParams(
            dimension_semantics=("arbitrary",)),
    )(a, b)

    loss, hm_loss, wh_loss = pl.pallas_call(
        _combine_body,
        in_specs=[
            pl.BlockSpec(memory_space=pltpu.SMEM),
            pl.BlockSpec(memory_space=pltpu.VMEM),
        ],
        out_specs=[
            pl.BlockSpec(memory_space=pltpu.SMEM),
            pl.BlockSpec(memory_space=pltpu.SMEM),
            pl.BlockSpec(memory_space=pltpu.SMEM),
        ],
        out_shape=[
            jax.ShapeDtypeStruct((1, 1), jnp.float32),
            jax.ShapeDtypeStruct((1, 1), jnp.float32),
            jax.ShapeDtypeStruct((1, 1), jnp.float32),
        ],
    )(mse_sum, sc_part)

    return (loss.reshape(()), hm_loss.reshape(()), wh_loss.reshape(()))

# --- scband reference (transcript-rebuilt; emitter-appended) ---
"""Pipeline reference for scband-center-net-loss-69466801045919 (READ-ONLY COPY).

The authoritative reference and input builder live on the scoring server;
editing this copy changes nothing except your own understanding.
"""

import jax, jax.numpy as jnp
import numpy as np

B, C, H, W, K = 16, 80, 128, 128, 128
HM_WEIGHT = 1.0
WH_WEIGHT = 0.1


def setup_inputs(seed: int = 0) -> dict:
    key = jax.random.key(seed)
    k1, k2, k3, k4, k5, k6 = jax.random.split(key, 6)
    in_hm = jax.random.uniform(k1, (B, C, H, W), dtype=jnp.float32)
    out_hm = jax.random.uniform(k2, (B, C, H, W), dtype=jnp.float32)
    in_wh = jax.random.normal(k3, (B, K, 2), dtype=jnp.float32)
    out_wh = jax.random.normal(k4, (B, 2, H, W), dtype=jnp.float32)
    reg_mask = jax.random.randint(k5, (B, K), 0, 2, dtype=jnp.int32)
    ind = jax.random.randint(k6, (B, K), 0, H * W, dtype=jnp.int32)
    return {"in_hm": in_hm, "out_hm": out_hm, "in_wh": in_wh, "out_wh": out_wh, "reg_mask": reg_mask, "ind": ind}


def _transpose_and_gather_feat(feat, ind):
    # feat: [B, Cf, H, W] -> [B, H*W, Cf]; gather rows per ind: [B, K] -> [B, K, Cf]
    b, cf, h, w = feat.shape
    feat = jnp.transpose(feat, (0, 2, 3, 1)).reshape(b, h * w, cf)
    idx = jnp.broadcast_to(ind[:, :, None], (b, ind.shape[1], cf))
    return jnp.take_along_axis(feat, idx, axis=1)


def reference(in_hm, out_hm, in_wh, out_wh, reg_mask, ind):
    # hm loss: nn.MSELoss (mean reduction)
    hm_loss = jnp.mean((in_hm - out_hm) ** 2)
    # RegL1Loss
    pred = _transpose_and_gather_feat(out_wh, ind)  # [B, K, 2]
    mask = jnp.broadcast_to(reg_mask[:, :, None], pred.shape).astype(jnp.float32)
    l1_sum = jnp.sum(jnp.abs(pred * mask - in_wh * mask))
    wh_loss = l1_sum / (jnp.sum(mask) + 0.0001)
    loss = HM_WEIGHT * hm_loss + WH_WEIGHT * wh_loss
    return (loss, hm_loss, wh_loss)

if __name__ == "__main__":
    import jax
    _d = setup_inputs()
    print(jax.jit(kernel)(*tuple(_d.values())))

</pallas_src>

<mosaic_0001>
#map = affine_map<(d0, d1) -> (0)>
#map1 = affine_map<(d0, d1) -> (0, 0, 0)>
module attributes {stable_mosaic.version = 14 : i64} {
  func.func @_sc_body(%arg0: i32, %arg1: i32, %arg2: memref<524288xf32, #tpu.memory_space<hbm>>, %arg3: memref<2048xi32, #tpu.memory_space<hbm>>, %arg4: memref<2048xi32, #tpu.memory_space<hbm>>, %arg5: memref<4096xf32, #tpu.memory_space<hbm>>, %arg6: memref<16x2x16xf32, #tpu.memory_space<hbm>>, %arg7: memref<128xi32, #tpu.memory_space<vmem>>, %arg8: memref<128xi32, #tpu.memory_space<vmem>>, %arg9: memref<128xi32, #tpu.memory_space<vmem>>, %arg10: memref<128xi32, #tpu.memory_space<vmem>>, %arg11: memref<128xf32, #tpu.memory_space<vmem>>, %arg12: memref<128xf32, #tpu.memory_space<vmem>>, %arg13: memref<256xf32, #tpu.memory_space<vmem>>, %arg14: memref<2x16xf32, #tpu.memory_space<vmem>>, %arg15: memref<!tpu.dma_semaphore, #tpu.memory_space<semaphore_mem>>, %arg16: memref<!tpu.dma_semaphore, #tpu.memory_space<semaphore_mem>>, %arg17: memref<!tpu.dma_semaphore, #tpu.memory_space<semaphore_mem>>, %arg18: memref<!tpu.dma_semaphore, #tpu.memory_space<semaphore_mem>>, %arg19: memref<!tpu.dma_semaphore, #tpu.memory_space<semaphore_mem>>) attributes {dimension_semantics = [#tpu.dimension_semantics<core_parallel>, #tpu.dimension_semantics<subcore_parallel>], iteration_bounds = array<i64: 1, 16>, scalar_prefetch = 0 : i64, scratch_operands = 13 : i64, tpu.core_type = #tpu.core_type<sc_vector_subcore>, window_params = [{transform_indices = #map}, {transform_indices = #map}, {transform_indices = #map}, {transform_indices = #map}, {transform_indices = #map1}]} {
    %mul3A = arith.constant 1 : i32
    %mul3A_0 = arith.muli %arg1, %mul3A : i32
    %add3A = arith.addi %mul3A_0, %arg0 : i32
    %mul3A_1 = arith.constant 128 : i32
    %mul3A_2 = arith.muli %add3A, %mul3A_1 : i32
    %dma_start3A = tpu.memref_slice %arg3[%mul3A_2] : memref<2048xi32, #tpu.memory_space<hbm>> -> memref<128xi32, #tpu.memory_space<hbm>>
    %dma_start3A_3 = tpu.memref_slice %arg3[%mul3A_2] : memref<2048xi32, #tpu.memory_space<hbm>> -> memref<128xi32, #tpu.memory_space<hbm>>
    tpu.enqueue_dma source(%dma_start3A_3 : memref<128xi32, #tpu.memory_space<hbm>>) target(%arg7 : memref<128xi32, #tpu.memory_space<vmem>>) target_semaphore(%arg15 : memref<!tpu.dma_semaphore, #tpu.memory_space<semaphore_mem>>)
    %dma_start3A_4 = tpu.memref_slice %arg4[%mul3A_2] : memref<2048xi32, #tpu.memory_space<hbm>> -> memref<128xi32, #tpu.memory_space<hbm>>
    %dma_start3A_5 = tpu.memref_slice %arg4[%mul3A_2] : memref<2048xi32, #tpu.memory_space<hbm>> -> memref<128xi32, #tpu.memory_space<hbm>>
    tpu.enqueue_dma source(%dma_start3A_5 : memref<128xi32, #tpu.memory_space<hbm>>) target(%arg8 : memref<128xi32, #tpu.memory_space<vmem>>) target_semaphore(%arg16 : memref<!tpu.dma_semaphore, #tpu.memory_space<semaphore_mem>>)
    %mul3A_6 = arith.constant 2 : i32
    %mul3A_7 = arith.muli %mul3A_6, %mul3A_2 : i32
    %dma_start3A_8 = tpu.memref_slice %arg5[%mul3A_7] : memref<4096xf32, #tpu.memory_space<hbm>> -> memref<256xf32, #tpu.memory_space<hbm>>
    %dma_start3A_9 = tpu.memref_slice %arg5[%mul3A_7] : memref<4096xf32, #tpu.memory_space<hbm>> -> memref<256xf32, #tpu.memory_space<hbm>>
    tpu.enqueue_dma source(%dma_start3A_9 : memref<256xf32, #tpu.memory_space<hbm>>) target(%arg13 : memref<256xf32, #tpu.memory_space<vmem>>) target_semaphore(%arg17 : memref<!tpu.dma_semaphore, #tpu.memory_space<semaphore_mem>>)
    %dma_wait3A = tpu.memref_slice %arg3[%mul3A_2] : memref<2048xi32, #tpu.memory_space<hbm>> -> memref<128xi32, #tpu.memory_space<hbm>>
    %dma_wait3A_10 = tpu.memref_slice %arg3[%mul3A_2] : memref<2048xi32, #tpu.memory_space<hbm>> -> memref<128xi32, #tpu.memory_space<hbm>>
    tpu.wait_dma2 semaphore(%arg15 : memref<!tpu.dma_semaphore, #tpu.memory_space<semaphore_mem>>) src(%dma_wait3A_10 : memref<128xi32, #tpu.memory_space<hbm>>) dst(%arg7 : memref<128xi32, #tpu.memory_space<vmem>>)
    %add3A_11 = arith.constant 0 : i32
    %add3A_12 = arith.addi %mul3A_2, %add3A_11 : i32
    %iota3A = tpu.iota {dimensions = array<i32: 0>} : vector<16xi32>
    %add3A_13 = vector.broadcast %add3A_12 : i32 to vector<16xi32>
    %add3A_14 = arith.addi %add3A_13, %iota3A : vector<16xi32>
    %shift_right_arithmetic3A = arith.constant 7 : i32
    %shift_right_arithmetic3A_15 = vector.broadcast %shift_right_arithmetic3A : i32 to vector<16xi32>
    %shift_right_arithmetic3A_16 = arith.shrsi %add3A_14, %shift_right_arithmetic3A_15 : vector<16xi32>
    %mul3A_17 = arith.constant 32768 : i32
    %mul3A_18 = vector.broadcast %mul3A_17 : i32 to vector<16xi32>
    %mul3A_19 = arith.muli %shift_right_arithmetic3A_16, %mul3A_18 : vector<16xi32>
    %get3A = arith.constant 0 : index
    %get3A_20 = tpu.vector_load %arg7[%get3A] {strides = array<i32>} : memref<128xi32, #tpu.memory_space<vmem>>, vector<16xi32>,
    %add3A_21 = arith.addi %mul3A_19, %get3A_20 : vector<16xi32>
    %swap3A = arith.constant 0 : index
    %swap3A_22 = tpu.vector_load %arg9[%swap3A] {strides = array<i32>} : memref<128xi32, #tpu.memory_space<vmem>>, vector<16xi32>,
    tpu.vector_store %arg9[%swap3A], %add3A_21 {strides = array<i32>} : memref<128xi32, #tpu.memory_space<vmem>>, vector<16xi32>,
    %add3A_23 = arith.constant 16384 : i32
    %add3A_24 = vector.broadcast %add3A_23 : i32 to vector<16xi32>
    %add3A_25 = arith.addi %mul3A_19, %add3A_24 : vector<16xi32>
    %add3A_26 = arith.addi %add3A_25, %get3A_20 : vector<16xi32>
    %swap3A_27 = arith.constant 0 : index
    %swap3A_28 = tpu.vector_load %arg10[%swap3A_27] {strides = array<i32>} : memref<128xi32, #tpu.memory_space<vmem>>, vector<16xi32>,
    tpu.vector_store %arg10[%swap3A_27], %add3A_26 {strides = array<i32>} : memref<128xi32, #tpu.memory_space<vmem>>, vector<16xi32>,
    %add3A_29 = arith.constant 16 : i32
    %add3A_30 = arith.addi %mul3A_2, %add3A_29 : i32
    %iota3A_31 = tpu.iota {dimensions = array<i32: 0>} : vector<16xi32>
    %add3A_32 = vector.broadcast %add3A_30 : i32 to vector<16xi32>
    %add3A_33 = arith.addi %add3A_32, %iota3A_31 : vector<16xi32>
    %shift_right_arithmetic3A_34 = arith.constant 7 : i32
    %shift_right_arithmetic3A_35 = vector.broadcast %shift_right_arithmetic3A_34 : i32 to vector<16xi32>
    %shift_right_arithmetic3A_36 = arith.shrsi %add3A_33, %shift_right_arithmetic3A_35 : vector<16xi32>
    %mul3A_37 = arith.constant 32768 : i32
    %mul3A_38 = vector.broadcast %mul3A_37 : i32 to vector<16xi32>
    %mul3A_39 = arith.muli %shift_right_arithmetic3A_36, %mul3A_38 : vector<16xi32>
    %get3A_40 = arith.constant 16 : index
    %get3A_41 = tpu.vector_load %arg7[%get3A_40] {strides = array<i32>} : memref<128xi32, #tpu.memory_space<vmem>>, vector<16xi32>,
    %add3A_42 = arith.addi %mul3A_39, %get3A_41 : vector<16xi32>
    %swap3A_43 = arith.constant 16 : index
    %swap3A_44 = tpu.vector_load %arg9[%swap3A_43] {strides = array<i32>} : memref<128xi32, #tpu.memory_space<vmem>>, vector<16xi32>,
    tpu.vector_store %arg9[%swap3A_43], %add3A_42 {strides = array<i32>} : memref<128xi32, #tpu.memory_space<vmem>>, vector<16xi32>,
    %add3A_45 = arith.constant 16384 : i32
    %add3A_46 = vector.broadcast %add3A_45 : i32 to vector<16xi32>
    %add3A_47 = arith.addi %mul3A_39, %add3A_46 : vector<16xi32>
    %add3A_48 = arith.addi %add3A_47, %get3A_41 : vector<16xi32>
    %swap3A_49 = arith.constant 16 : index
    %swap3A_50 = tpu.vector_load %arg10[%swap3A_49] {strides = array<i32>} : memref<128xi32, #tpu.memory_space<vmem>>, vector<16xi32>,
    tpu.vector_store %arg10[%swap3A_49], %add3A_48 {strides = array<i32>} : memref<128xi32, #tpu.memory_space<vmem>>, vector<16xi32>,
    %add3A_51 = arith.constant 32 : i32
    %add3A_52 = arith.addi %mul3A_2, %add3A_51 : i32
    %iota3A_53 = tpu.iota {dimensions = array<i32: 0>} : vector<16xi32>
    %add3A_54 = vector.broadcast %add3A_52 : i32 to vector<16xi32>
    %add3A_55 = arith.addi %add3A_54, %iota3A_53 : vector<16xi32>
    %shift_right_arithmetic3A_56 = arith.constant 7 : i32
    %shift_right_arithmetic3A_57 = vector.broadcast %shift_right_arithmetic3A_56 : i32 to vector<16xi32>
    %shift_right_arithmetic3A_58 = arith.shrsi %add3A_55, %shift_right_arithmetic3A_57 : vector<16xi32>
    %mul3A_59 = arith.constant 32768 : i32
    %mul3A_60 = vector.broadcast %mul3A_59 : i32 to vector<16xi32>
    %mul3A_61 = arith.muli %shift_right_arithmetic3A_58, %mul3A_60 : vector<16xi32>
    %get3A_62 = arith.constant 32 : index
    %get3A_63 = tpu.vector_load %arg7[%get3A_62] {strides = array<i32>} : memref<128xi32, #tpu.memory_space<vmem>>, vector<16xi32>,
    %add3A_64 = arith.addi %mul3A_61, %get3A_63 : vector<16xi32>
    %swap3A_65 = arith.constant 32 : index
    %swap3A_66 = tpu.vector_load %arg9[%swap3A_65] {strides = array<i32>} : memref<128xi32, #tpu.memory_space<vmem>>, vector<16xi32>,
    tpu.vector_store %arg9[%swap3A_65], %add3A_64 {strides = array<i32>} : memref<128xi32, #tpu.memory_space<vmem>>, vector<16xi32>,
    %add3A_67 = arith.constant 16384 : i32
    %add3A_68 = vector.broadcast %add3A_67 : i32 to vector<16xi32>
    %add3A_69 = arith.addi %mul3A_61, %add3A_68 : vector<16xi32>
    %add3A_70 = arith.addi %add3A_69, %get3A_63 : vector<16xi32>
    %swap3A_71 = arith.constant 32 : index
    %swap3A_72 = tpu.vector_load %arg10[%swap3A_71] {strides = array<i32>} : memref<128xi32, #tpu.memory_space<vmem>>, vector<16xi32>,
    tpu.vector_store %arg10[%swap3A_71], %add3A_70 {strides = array<i32>} : memref<128xi32, #tpu.memory_space<vmem>>, vector<16xi32>,
    %add3A_73 = arith.constant 48 : i32
    %add3A_74 = arith.addi %mul3A_2, %add3A_73 : i32
    %iota3A_75 = tpu.iota {dimensions = array<i32: 0>} : vector<16xi32>
    %add3A_76 = vector.broadcast %add3A_74 : i32 to vector<16xi32>
    %add3A_77 = arith.addi %add3A_76, %iota3A_75 : vector<16xi32>
    %shift_right_arithmetic3A_78 = arith.constant 7 : i32
    %shift_right_arithmetic3A_79 = vector.broadcast %shift_right_arithmetic3A_78 : i32 to vector<16xi32>
    %shift_right_arithmetic3A_80 = arith.shrsi %add3A_77, %shift_right_arithmetic3A_79 : vector<16xi32>
    %mul3A_81 = arith.constant 32768 : i32
    %mul3A_82 = vector.broadcast %mul3A_81 : i32 to vector<16xi32>
    %mul3A_83 = arith.muli %shift_right_arithmetic3A_80, %mul3A_82 : vector<16xi32>
    %get3A_84 = arith.constant 48 : index
    %get3A_85 = tpu.vector_load %arg7[%get3A_84] {strides = array<i32>} : memref<128xi32, #tpu.memory_space<vmem>>, vector<16xi32>,
    %add3A_86 = arith.addi %mul3A_83, %get3A_85 : vector<16xi32>
    %swap3A_87 = arith.constant 48 : index
    %swap3A_88 = tpu.vector_load %arg9[%swap3A_87] {strides = array<i32>} : memref<128xi32, #tpu.memory_space<vmem>>, vector<16xi32>,
    tpu.vector_store %arg9[%swap3A_87], %add3A_86 {strides = array<i32>} : memref<128xi32, #tpu.memory_space<vmem>>, vector<16xi32>,
    %add3A_89 = arith.constant 16384 : i32
    %add3A_90 = vector.broadcast %add3A_89 : i32 to vector<16xi32>
    %add3A_91 = arith.addi %mul3A_83, %add3A_90 : vector<16xi32>
    %add3A_92 = arith.addi %add3A_91, %get3A_85 : vector<16xi32>
    %swap3A_93 = arith.constant 48 : index
    %swap3A_94 = tpu.vector_load %arg10[%swap3A_93] {strides = array<i32>} : memref<128xi32, #tpu.memory_space<vmem>>, vector<16xi32>,
    tpu.vector_store %arg10[%swap3A_93], %add3A_92 {strides = array<i32>} : memref<128xi32, #tpu.memory_space<vmem>>, vector<16xi32>,
    %add3A_95 = arith.constant 64 : i32
    %add3A_96 = arith.addi %mul3A_2, %add3A_95 : i32
    %iota3A_97 = tpu.iota {dimensions = array<i32: 0>} : vector<16xi32>
    %add3A_98 = vector.broadcast %add3A_96 : i32 to vector<16xi32>
    %add3A_99 = arith.addi %add3A_98, %iota3A_97 : vector<16xi32>
    %shift_right_arithmetic3A_100 = arith.constant 7 : i32
    %shift_right_arithmetic3A_101 = vector.broadcast %shift_right_arithmetic3A_100 : i32 to vector<16xi32>
    %shift_right_arithmetic3A_102 = arith.shrsi %add3A_99, %shift_right_arithmetic3A_101 : vector<16xi32>
    %mul3A_103 = arith.constant 32768 : i32
    %mul3A_104 = vector.broadcast %mul3A_103 : i32 to vector<16xi32>
    %mul3A_105 = arith.muli %shift_right_arithmetic3A_102, %mul3A_104 : vector<16xi32>
    %get3A_106 = arith.constant 64 : index
    %get3A_107 = tpu.vector_load %arg7[%get3A_106] {strides = array<i32>} : memref<128xi32, #tpu.memory_space<vmem>>, vector<16xi32>,
    %add3A_108 = arith.addi %mul3A_105, %get3A_107 : vector<16xi32>
    %swap3A_109 = arith.constant 64 : index
    %swap3A_110 = tpu.vector_load %arg9[%swap3A_109] {strides = array<i32>} : memref<128xi32, #tpu.memory_space<vmem>>, vector<16xi32>,
    tpu.vector_store %arg9[%swap3A_109], %add3A_108 {strides = array<i32>} : memref<128xi32, #tpu.memory_space<vmem>>, vector<16xi32>,
    %add3A_111 = arith.constant 16384 : i32
    %add3A_112 = vector.broadcast %add3A_111 : i32 to vector<16xi32>
    %add3A_113 = arith.addi %mul3A_105, %add3A_112 : vector<16xi32>
    %add3A_114 = arith.addi %add3A_113, %get3A_107 : vector<16xi32>
    %swap3A_115 = arith.constant 64 : index
    %swap3A_116 = tpu.vector_load %arg10[%swap3A_115] {strides = array<i32>} : memref<128xi32, #tpu.memory_space<vmem>>, vector<16xi32>,
    tpu.vector_store %arg10[%swap3A_115], %add3A_114 {strides = array<i32>} : memref<128xi32, #tpu.memory_space<vmem>>, vector<16xi32>,
    %add3A_117 = arith.constant 80 : i32
    %add3A_118 = arith.addi %mul3A_2, %add3A_117 : i32
    %iota3A_119 = tpu.iota {dimensions = array<i32: 0>} : vector<16xi32>
    %add3A_120 = vector.broadcast %add3A_118 : i32 to vector<16xi32>
    %add3A_121 = arith.addi %add3A_120, %iota3A_119 : vector<16xi32>
    %shift_right_arithmetic3A_122 = arith.constant 7 : i32
    %shift_right_arithmetic3A_123 = vector.broadcast %shift_right_arithmetic3A_122 : i32 to vector<16xi32>
    %shift_right_arithmetic3A_124 = arith.shrsi %add3A_121, %shift_right_arithmetic3A_123 : vector<16xi32>
    %mul3A_125 = arith.constant 32768 : i32
    %mul3A_126 = vector.broadcast %mul3A_125 : i32 to vector<16xi32>
    %mul3A_127 = arith.muli %shift_right_arithmetic3A_124, %mul3A_126 : vector<16xi32>
    %get3A_128 = arith.constant 80 : index
    %get3A_129 = tpu.vector_load %arg7[%get3A_128] {strides = array<i32>} : memref<128xi32, #tpu.memory_space<vmem>>, vector<16xi32>,
    %add3A_130 = arith.addi %mul3A_127, %get3A_129 : vector<16xi32>
    %swap3A_131 = arith.constant 80 : index
    %swap3A_132 = tpu.vector_load %arg9[%swap3A_131] {strides = array<i32>} : memref<128xi32, #tpu.memory_space<vmem>>, vector<16xi32>,
    tpu.vector_store %arg9[%swap3A_131], %add3A_130 {strides = array<i32>} : memref<128xi32, #tpu.memory_space<vmem>>, vector<16xi32>,
    %add3A_133 = arith.constant 16384 : i32
    %add3A_134 = vector.broadcast %add3A_133 : i32 to vector<16xi32>
    %add3A_135 = arith.addi %mul3A_127, %add3A_134 : vector<16xi32>
    %add3A_136 = arith.addi %add3A_135, %get3A_129 : vector<16xi32>
    %swap3A_137 = arith.constant 80 : index
    %swap3A_138 = tpu.vector_load %arg10[%swap3A_137] {strides = array<i32>} : memref<128xi32, #tpu.memory_space<vmem>>, vector<16xi32>,
    tpu.vector_store %arg10[%swap3A_137], %add3A_136 {strides = array<i32>} : memref<128xi32, #tpu.memory_space<vmem>>, vector<16xi32>,
    %add3A_139 = arith.constant 96 : i32
    %add3A_140 = arith.addi %mul3A_2, %add3A_139 : i32
    %iota3A_141 = tpu.iota {dimensions = array<i32: 0>} : vector<16xi32>
    %add3A_142 = vector.broadcast %add3A_140 : i32 to vector<16xi32>
    %add3A_143 = arith.addi %add3A_142, %iota3A_141 : vector<16xi32>
    %shift_right_arithmetic3A_144 = arith.constant 7 : i32
    %shift_right_arithmetic3A_145 = vector.broadcast %shift_right_arithmetic3A_144 : i32 to vector<16xi32>
    %shift_right_arithmetic3A_146 = arith.shrsi %add3A_143, %shift_right_arithmetic3A_145 : vector<16xi32>
    %mul3A_147 = arith.constant 32768 : i32
    %mul3A_148 = vector.broadcast %mul3A_147 : i32 to vector<16xi32>
    %mul3A_149 = arith.muli %shift_right_arithmetic3A_146, %mul3A_148 : vector<16xi32>
    %get3A_150 = arith.constant 96 : index
    %get3A_151 = tpu.vector_load %arg7[%get3A_150] {strides = array<i32>} : memref<128xi32, #tpu.memory_space<vmem>>, vector<16xi32>,
    %add3A_152 = arith.addi %mul3A_149, %get3A_151 : vector<16xi32>
    %swap3A_153 = arith.constant 96 : index
    %swap3A_154 = tpu.vector_load %arg9[%swap3A_153] {strides = array<i32>} : memref<128xi32, #tpu.memory_space<vmem>>, vector<16xi32>,
    tpu.vector_store %arg9[%swap3A_153], %add3A_152 {strides = array<i32>} : memref<128xi32, #tpu.memory_space<vmem>>, vector<16xi32>,
    %add3A_155 = arith.constant 16384 : i32
    %add3A_156 = vector.broadcast %add3A_155 : i32 to vector<16xi32>
    %add3A_157 = arith.addi %mul3A_149, %add3A_156 : vector<16xi32>
    %add3A_158 = arith.addi %add3A_157, %get3A_151 : vector<16xi32>
    %swap3A_159 = arith.constant 96 : index
    %swap3A_160 = tpu.vector_load %arg10[%swap3A_159] {strides = array<i32>} : memref<128xi32, #tpu.memory_space<vmem>>, vector<16xi32>,
    tpu.vector_store %arg10[%swap3A_159], %add3A_158 {strides = array<i32>} : memref<128xi32, #tpu.memory_space<vmem>>, vector<16xi32>,
    %add3A_161 = arith.constant 112 : i32
    %add3A_162 = arith.addi %mul3A_2, %add3A_161 : i32
    %iota3A_163 = tpu.iota {dimensions = array<i32: 0>} : vector<16xi32>
    %add3A_164 = vector.broadcast %add3A_162 : i32 to vector<16xi32>
    %add3A_165 = arith.addi %add3A_164, %iota3A_163 : vector<16xi32>
    %shift_right_arithmetic3A_166 = arith.constant 7 : i32
    %shift_right_arithmetic3A_167 = vector.broadcast %shift_right_arithmetic3A_166 : i32 to vector<16xi32>
    %shift_right_arithmetic3A_168 = arith.shrsi %add3A_165, %shift_right_arithmetic3A_167 : vector<16xi32>
    %mul3A_169 = arith.constant 32768 : i32
    %mul3A_170 = vector.broadcast %mul3A_169 : i32 to vector<16xi32>
    %mul3A_171 = arith.muli %shift_right_arithmetic3A_168, %mul3A_170 : vector<16xi32>
    %get3A_172 = arith.constant 112 : index
    %get3A_173 = tpu.vector_load %arg7[%get3A_172] {strides = array<i32>} : memref<128xi32, #tpu.memory_space<vmem>>, vector<16xi32>,
    %add3A_174 = arith.addi %mul3A_171, %get3A_173 : vector<16xi32>
    %swap3A_175 = arith.constant 112 : index
    %swap3A_176 = tpu.vector_load %arg9[%swap3A_175] {strides = array<i32>} : memref<128xi32, #tpu.memory_space<vmem>>, vector<16xi32>,
    tpu.vector_store %arg9[%swap3A_175], %add3A_174 {strides = array<i32>} : memref<128xi32, #tpu.memory_space<vmem>>, vector<16xi32>,
    %add3A_177 = arith.constant 16384 : i32
    %add3A_178 = vector.broadcast %add3A_177 : i32 to vector<16xi32>
    %add3A_179 = arith.addi %mul3A_171, %add3A_178 : vector<16xi32>
    %add3A_180 = arith.addi %add3A_179, %get3A_173 : vector<16xi32>
    %swap3A_181 = arith.constant 112 : index
    %swap3A_182 = tpu.vector_load %arg10[%swap3A_181] {strides = array<i32>} : memref<128xi32, #tpu.memory_space<vmem>>, vector<16xi32>,
    tpu.vector_store %arg10[%swap3A_181], %add3A_180 {strides = array<i32>} : memref<128xi32, #tpu.memory_space<vmem>>, vector<16xi32>,
    %dma_start3A_183 = arith.constant 0 : i32
    %dma_start3A_184 = tpu.memref_slice %arg2[%dma_start3A_183] : memref<524288xf32, #tpu.memory_space<hbm>> -> memref<524288xf32, #tpu.memory_space<hbm>>
    tpu.enqueue_indirect_dma source(%dma_start3A_184 : memref<524288xf32, #tpu.memory_space<hbm>>) target(%arg11 : memref<128xf32, #tpu.memory_space<vmem>>) offsets(%arg9 : memref<128xi32, #tpu.memory_space<vmem>>) semaphore(%arg18 : memref<!tpu.dma_semaphore, #tpu.memory_space<semaphore_mem>>)
    %dma_start3A_185 = arith.constant 0 : i32
    %dma_start3A_186 = tpu.memref_slice %arg2[%dma_start3A_185] : memref<524288xf32, #tpu.memory_space<hbm>> -> memref<524288xf32, #tpu.memory_space<hbm>>
    tpu.enqueue_indirect_dma source(%dma_start3A_186 : memref<524288xf32, #tpu.memory_space<hbm>>) target(%arg12 : memref<128xf32, #tpu.memory_space<vmem>>) offsets(%arg10 : memref<128xi32, #tpu.memory_space<vmem>>) semaphore(%arg19 : memref<!tpu.dma_semaphore, #tpu.memory_space<semaphore_mem>>)
    %dma_wait3A_187 = tpu.memref_slice %arg4[%mul3A_2] : memref<2048xi32, #tpu.memory_space<hbm>> -> memref<128xi32, #tpu.memory_space<hbm>>
    %dma_wait3A_188 = tpu.memref_slice %arg4[%mul3A_2] : memref<2048xi32, #tpu.memory_space<hbm>> -> memref<128xi32, #tpu.memory_space<hbm>>
    tpu.wait_dma2 semaphore(%arg16 : memref<!tpu.dma_semaphore, #tpu.memory_space<semaphore_mem>>) src(%dma_wait3A_188 : memref<128xi32, #tpu.memory_space<hbm>>) dst(%arg8 : memref<128xi32, #tpu.memory_space<vmem>>)
    %dma_wait3A_189 = tpu.memref_slice %arg5[%mul3A_7] : memref<4096xf32, #tpu.memory_space<hbm>> -> memref<256xf32, #tpu.memory_space<hbm>>
    %dma_wait3A_190 = tpu.memref_slice %arg5[%mul3A_7] : memref<4096xf32, #tpu.memory_space<hbm>> -> memref<256xf32, #tpu.memory_space<hbm>>
    tpu.wait_dma2 semaphore(%arg17 : memref<!tpu.dma_semaphore, #tpu.memory_space<semaphore_mem>>) src(%dma_wait3A_190 : memref<256xf32, #tpu.memory_space<hbm>>) dst(%arg13 : memref<256xf32, #tpu.memory_space<vmem>>)
    %dma_wait3A_191 = arith.constant 0 : i32
    %dma_wait3A_192 = tpu.memref_slice %arg2[%dma_wait3A_191] : memref<524288xf32, #tpu.memory_space<hbm>> -> memref<524288xf32, #tpu.memory_space<hbm>>
    tpu.wait_indirect_dma semaphore(%arg18 : memref<!tpu.dma_semaphore, #tpu.memory_space<semaphore_mem>>) src(%dma_wait3A_192 : memref<524288xf32, #tpu.memory_space<hbm>>) dst(%arg11 : memref<128xf32, #tpu.memory_space<vmem>>)
    %dma_wait3A_193 = arith.constant 0 : i32
    %dma_wait3A_194 = tpu.memref_slice %arg2[%dma_wait3A_193] : memref<524288xf32, #tpu.memory_space<hbm>> -> memref<524288xf32, #tpu.memory_space<hbm>>
    tpu.wait_indirect_dma semaphore(%arg19 : memref<!tpu.dma_semaphore, #tpu.memory_space<semaphore_mem>>) src(%dma_wait3A_194 : memref<524288xf32, #tpu.memory_space<hbm>>) dst(%arg12 : memref<128xf32, #tpu.memory_space<vmem>>)
    %broadcast_in_dim3A = arith.constant 0.000000e+00 : f32
    %broadcast_in_dim3A_195 = vector.broadcast %broadcast_in_dim3A : f32 to vector<16xf32>
    %broadcast_in_dim3A_196 = arith.constant 0.000000e+00 : f32
    %broadcast_in_dim3A_197 = vector.broadcast %broadcast_in_dim3A_196 : f32 to vector<16xf32>
    %get3A_198 = arith.constant 0 : index
    %get3A_199 = tpu.vector_load %arg8[%get3A_198] {strides = array<i32>} : memref<128xi32, #tpu.memory_space<vmem>>, vector<16xi32>,
    %convert_element_type3A = arith.sitofp %get3A_199 : vector<16xi32> to vector<16xf32>
    %get3A_200 = arith.constant 0 : index
    %get3A_201 = tpu.vector_load %arg11[%get3A_200] {strides = array<i32>} : memref<128xf32, #tpu.memory_space<vmem>>, vector<16xf32>,
    %get3A_202 = arith.constant 0 : index
    %get3A_203 = tpu.vector_load %arg12[%get3A_202] {strides = array<i32>} : memref<128xf32, #tpu.memory_space<vmem>>, vector<16xf32>,
    %iota3A_204 = tpu.iota {dimensions = array<i32: 0>} : vector<16xi32>
    %mul3A_205 = arith.constant 2 : i32
    %mul3A_206 = vector.broadcast %mul3A_205 : i32 to vector<16xi32>
    %mul3A_207 = arith.muli %iota3A_204, %mul3A_206 : vector<16xi32>
    %add3A_208 = arith.constant 0 : i32
    %add3A_209 = vector.broadcast %add3A_208 : i32 to vector<16xi32>
    %add3A_210 = arith.addi %mul3A_207, %add3A_209 : vector<16xi32>
    %gather3A = tpu.vector_load_idx %arg13[%add3A_210] : memref<256xf32, #tpu.memory_space<vmem>>[vector<16xi32>], vector<16xf32>,
    %add3A_211 = arith.constant 1 : i32
    %add3A_212 = vector.broadcast %add3A_211 : i32 to vector<16xi32>
    %add3A_213 = arith.addi %add3A_210, %add3A_212 : vector<16xi32>
    %gather3A_214 = tpu.vector_load_idx %arg13[%add3A_213] : memref<256xf32, #tpu.memory_space<vmem>>[vector<16xi32>], vector<16xf32>,
    %sub3A = arith.subf %get3A_201, %gather3A : vector<16xf32>
    %abs3A = math.absf %sub3A : vector<16xf32>
    %sub3A_215 = arith.subf %get3A_203, %gather3A_214 : vector<16xf32>
    %abs3A_216 = math.absf %sub3A_215 : vector<16xf32>
    %add3A_217 = arith.addf %abs3A, %abs3A_216 : vector<16xf32>
    %mul3A_218 = arith.mulf %convert_element_type3A, %add3A_217 : vector<16xf32>
    %add3A_219 = arith.addf %broadcast_in_dim3A_195, %mul3A_218 : vector<16xf32>
    %add3A_220 = arith.addf %broadcast_in_dim3A_197, %convert_element_type3A : vector<16xf32>
    %get3A_221 = arith.constant 16 : index
    %get3A_222 = tpu.vector_load %arg8[%get3A_221] {strides = array<i32>} : memref<128xi32, #tpu.memory_space<vmem>>, vector<16xi32>,
    %convert_element_type3A_223 = arith.sitofp %get3A_222 : vector<16xi32> to vector<16xf32>
    %get3A_224 = arith.constant 16 : index
    %get3A_225 = tpu.vector_load %arg11[%get3A_224] {strides = array<i32>} : memref<128xf32, #tpu.memory_space<vmem>>, vector<16xf32>,
    %get3A_226 = arith.constant 16 : index
    %get3A_227 = tpu.vector_load %arg12[%get3A_226] {strides = array<i32>} : memref<128xf32, #tpu.memory_space<vmem>>, vector<16xf32>,
    %iota3A_228 = tpu.iota {dimensions = array<i32: 0>} : vector<16xi32>
    %mul3A_229 = arith.constant 2 : i32
    %mul3A_230 = vector.broadcast %mul3A_229 : i32 to vector<16xi32>
    %mul3A_231 = arith.muli %iota3A_228, %mul3A_230 : vector<16xi32>
    %add3A_232 = arith.constant 32 : i32
    %add3A_233 = vector.broadcast %add3A_232 : i32 to vector<16xi32>
    %add3A_234 = arith.addi %mul3A_231, %add3A_233 : vector<16xi32>
    %gather3A_235 = tpu.vector_load_idx %arg13[%add3A_234] : memref<256xf32, #tpu.memory_space<vmem>>[vector<16xi32>], vector<16xf32>,
    %add3A_236 = arith.constant 1 : i32
    %add3A_237 = vector.broadcast %add3A_236 : i32 to vector<16xi32>
    %add3A_238 = arith.addi %add3A_234, %add3A_237 : vector<16xi32>
    %gather3A_239 = tpu.vector_load_idx %arg13[%add3A_238] : memref<256xf32, #tpu.memory_space<vmem>>[vector<16xi32>], vector<16xf32>,
    %sub3A_240 = arith.subf %get3A_225, %gather3A_235 : vector<16xf32>
    %abs3A_241 = math.absf %sub3A_240 : vector<16xf32>
    %sub3A_242 = arith.subf %get3A_227, %gather3A_239 : vector<16xf32>
    %abs3A_243 = math.absf %sub3A_242 : vector<16xf32>
    %add3A_244 = arith.addf %abs3A_241, %abs3A_243 : vector<16xf32>
    %mul3A_245 = arith.mulf %convert_element_type3A_223, %add3A_244 : vector<16xf32>
    %add3A_246 = arith.addf %add3A_219, %mul3A_245 : vector<16xf32>
    %add3A_247 = arith.addf %add3A_220, %convert_element_type3A_223 : vector<16xf32>
    %get3A_248 = arith.constant 32 : index
    %get3A_249 = tpu.vector_load %arg8[%get3A_248] {strides = array<i32>} : memref<128xi32, #tpu.memory_space<vmem>>, vector<16xi32>,
    %convert_element_type3A_250 = arith.sitofp %get3A_249 : vector<16xi32> to vector<16xf32>
    %get3A_251 = arith.constant 32 : index
    %get3A_252 = tpu.vector_load %arg11[%get3A_251] {strides = array<i32>} : memref<128xf32, #tpu.memory_space<vmem>>, vector<16xf32>,
    %get3A_253 = arith.constant 32 : index
    %get3A_254 = tpu.vector_load %arg12[%get3A_253] {strides = array<i32>} : memref<128xf32, #tpu.memory_space<vmem>>, vector<16xf32>,
    %iota3A_255 = tpu.iota {dimensions = array<i32: 0>} : vector<16xi32>
    %mul3A_256 = arith.constant 2 : i32
    %mul3A_257 = vector.broadcast %mul3A_256 : i32 to vector<16xi32>
    %mul3A_258 = arith.muli %iota3A_255, %mul3A_257 : vector<16xi32>
    %add3A_259 = arith.constant 64 : i32
    %add3A_260 = vector.broadcast %add3A_259 : i32 to vector<16xi32>
    %add3A_261 = arith.addi %mul3A_258, %add3A_260 : vector<16xi32>
    %gather3A_262 = tpu.vector_load_idx %arg13[%add3A_261] : memref<256xf32, #tpu.memory_space<vmem>>[vector<16xi32>], vector<16xf32>,
    %add3A_263 = arith.constant 1 : i32
    %add3A_264 = vector.broadcast %add3A_263 : i32 to vector<16xi32>
    %add3A_265 = arith.addi %add3A_261, %add3A_264 : vector<16xi32>
    %gather3A_266 = tpu.vector_load_idx %arg13[%add3A_265] : memref<256xf32, #tpu.memory_space<vmem>>[vector<16xi32>], vector<16xf32>,
    %sub3A_267 = arith.subf %get3A_252, %gather3A_262 : vector<16xf32>
    %abs3A_268 = math.absf %sub3A_267 : vector<16xf32>
    %sub3A_269 = arith.subf %get3A_254, %gather3A_266 : vector<16xf32>
    %abs3A_270 = math.absf %sub3A_269 : vector<16xf32>
    %add3A_271 = arith.addf %abs3A_268, %abs3A_270 : vector<16xf32>
    %mul3A_272 = arith.mulf %convert_element_type3A_250, %add3A_271 : vector<16xf32>
    %add3A_273 = arith.addf %add3A_246, %mul3A_272 : vector<16xf32>
    %add3A_274 = arith.addf %add3A_247, %convert_element_type3A_250 : vector<16xf32>
    %get3A_275 = arith.constant 48 : index
    %get3A_276 = tpu.vector_load %arg8[%get3A_275] {strides = array<i32>} : memref<128xi32, #tpu.memory_space<vmem>>, vector<16xi32>,
    %convert_element_type3A_277 = arith.sitofp %get3A_276 : vector<16xi32> to vector<16xf32>
    %get3A_278 = arith.constant 48 : index
    %get3A_279 = tpu.vector_load %arg11[%get3A_278] {strides = array<i32>} : memref<128xf32, #tpu.memory_space<vmem>>, vector<16xf32>,
    %get3A_280 = arith.constant 48 : index
    %get3A_281 = tpu.vector_load %arg12[%get3A_280] {strides = array<i32>} : memref<128xf32, #tpu.memory_space<vmem>>, vector<16xf32>,
    %iota3A_282 = tpu.iota {dimensions = array<i32: 0>} : vector<16xi32>
    %mul3A_283 = arith.constant 2 : i32
    %mul3A_284 = vector.broadcast %mul3A_283 : i32 to vector<16xi32>
    %mul3A_285 = arith.muli %iota3A_282, %mul3A_284 : vector<16xi32>
    %add3A_286 = arith.constant 96 : i32
    %add3A_287 = vector.broadcast %add3A_286 : i32 to vector<16xi32>
    %add3A_288 = arith.addi %mul3A_285, %add3A_287 : vector<16xi32>
    %gather3A_289 = tpu.vector_load_idx %arg13[%add3A_288] : memref<256xf32, #tpu.memory_space<vmem>>[vector<16xi32>], vector<16xf32>,
    %add3A_290 = arith.constant 1 : i32
    %add3A_291 = vector.broadcast %add3A_290 : i32 to vector<16xi32>
    %add3A_292 = arith.addi %add3A_288, %add3A_291 : vector<16xi32>
    %gather3A_293 = tpu.vector_load_idx %arg13[%add3A_292] : memref<256xf32, #tpu.memory_space<vmem>>[vector<16xi32>], vector<16xf32>,
    %sub3A_294 = arith.subf %get3A_279, %gather3A_289 : vector<16xf32>
    %abs3A_295 = math.absf %sub3A_294 : vector<16xf32>
    %sub3A_296 = arith.subf %get3A_281, %gather3A_293 : vector<16xf32>
    %abs3A_297 = math.absf %sub3A_296 : vector<16xf32>
    %add3A_298 = arith.addf %abs3A_295, %abs3A_297 : vector<16xf32>
    %mul3A_299 = arith.mulf %convert_element_type3A_277, %add3A_298 : vector<16xf32>
    %add3A_300 = arith.addf %add3A_273, %mul3A_299 : vector<16xf32>
    %add3A_301 = arith.addf %add3A_274, %convert_element_type3A_277 : vector<16xf32>
    %get3A_302 = arith.constant 64 : index
    %get3A_303 = tpu.vector_load %arg8[%get3A_302] {strides = array<i32>} : memref<128xi32, #tpu.memory_space<vmem>>, vector<16xi32>,
    %convert_element_type3A_304 = arith.sitofp %get3A_303 : vector<16xi32> to vector<16xf32>
    %get3A_305 = arith.constant 64 : index
    %get3A_306 = tpu.vector_load %arg11[%get3A_305] {strides = array<i32>} : memref<128xf32, #tpu.memory_space<vmem>>, vector<16xf32>,
    %get3A_307 = arith.constant 64 : index
    %get3A_308 = tpu.vector_load %arg12[%get3A_307] {strides = array<i32>} : memref<128xf32, #tpu.memory_space<vmem>>, vector<16xf32>,
    %iota3A_309 = tpu.iota {dimensions = array<i32: 0>} : vector<16xi32>
    %mul3A_310 = arith.constant 2 : i32
    %mul3A_311 = vector.broadcast %mul3A_310 : i32 to vector<16xi32>
    %mul3A_312 = arith.muli %iota3A_309, %mul3A_311 : vector<16xi32>
    %add3A_313 = arith.constant 128 : i32
    %add3A_314 = vector.broadcast %add3A_313 : i32 to vector<16xi32>
    %add3A_315 = arith.addi %mul3A_312, %add3A_314 : vector<16xi32>
    %gather3A_316 = tpu.vector_load_idx %arg13[%add3A_315] : memref<256xf32, #tpu.memory_space<vmem>>[vector<16xi32>], vector<16xf32>,
    %add3A_317 = arith.constant 1 : i32
    %add3A_318 = vector.broadcast %add3A_317 : i32 to vector<16xi32>
    %add3A_319 = arith.addi %add3A_315, %add3A_318 : vector<16xi32>
    %gather3A_320 = tpu.vector_load_idx %arg13[%add3A_319] : memref<256xf32, #tpu.memory_space<vmem>>[vector<16xi32>], vector<16xf32>,
    %sub3A_321 = arith.subf %get3A_306, %gather3A_316 : vector<16xf32>
    %abs3A_322 = math.absf %sub3A_321 : vector<16xf32>
    %sub3A_323 = arith.subf %get3A_308, %gather3A_320 : vector<16xf32>
    %abs3A_324 = math.absf %sub3A_323 : vector<16xf32>
    %add3A_325 = arith.addf %abs3A_322, %abs3A_324 : vector<16xf32>
    %mul3A_326 = arith.mulf %convert_element_type3A_304, %add3A_325 : vector<16xf32>
    %add3A_327 = arith.addf %add3A_300, %mul3A_326 : vector<16xf32>
    %add3A_328 = arith.addf %add3A_301, %convert_element_type3A_304 : vector<16xf32>
    %get3A_329 = arith.constant 80 : index
    %get3A_330 = tpu.vector_load %arg8[%get3A_329] {strides = array<i32>} : memref<128xi32, #tpu.memory_space<vmem>>, vector<16xi32>,
    %convert_element_type3A_331 = arith.sitofp %get3A_330 : vector<16xi32> to vector<16xf32>
    %get3A_332 = arith.constant 80 : index
    %get3A_333 = tpu.vector_load %arg11[%get3A_332] {strides = array<i32>} : memref<128xf32, #tpu.memory_space<vmem>>, vector<16xf32>,
    %get3A_334 = arith.constant 80 : index
    %get3A_335 = tpu.vector_load %arg12[%get3A_334] {strides = array<i32>} : memref<128xf32, #tpu.memory_space<vmem>>, vector<16xf32>,
    %iota3A_336 = tpu.iota {dimensions = array<i32: 0>} : vector<16xi32>
    %mul3A_337 = arith.constant 2 : i32
    %mul3A_338 = vector.broadcast %mul3A_337 : i32 to vector<16xi32>
    %mul3A_339 = arith.muli %iota3A_336, %mul3A_338 : vector<16xi32>
    %add3A_340 = arith.constant 160 : i32
    %add3A_341 = vector.broadcast %add3A_340 : i32 to vector<16xi32>
    %add3A_342 = arith.addi %mul3A_339, %add3A_341 : vector<16xi32>
    %gather3A_343 = tpu.vector_load_idx %arg13[%add3A_342] : memref<256xf32, #tpu.memory_space<vmem>>[vector<16xi32>], vector<16xf32>,
    %add3A_344 = arith.constant 1 : i32
    %add3A_345 = vector.broadcast %add3A_344 : i32 to vector<16xi32>
    %add3A_346 = arith.addi %add3A_342, %add3A_345 : vector<16xi32>
    %gather3A_347 = tpu.vector_load_idx %arg13[%add3A_346] : memref<256xf32, #tpu.memory_space<vmem>>[vector<16xi32>], vector<16xf32>,
    %sub3A_348 = arith.subf %get3A_333, %gather3A_343 : vector<16xf32>
    %abs3A_349 = math.absf %sub3A_348 : vector<16xf32>
    %sub3A_350 = arith.subf %get3A_335, %gather3A_347 : vector<16xf32>
    %abs3A_351 = math.absf %sub3A_350 : vector<16xf32>
    %add3A_352 = arith.addf %abs3A_349, %abs3A_351 : vector<16xf32>
    %mul3A_353 = arith.mulf %convert_element_type3A_331, %add3A_352 : vector<16xf32>
    %add3A_354 = arith.addf %add3A_327, %mul3A_353 : vector<16xf32>
    %add3A_355 = arith.addf %add3A_328, %convert_element_type3A_331 : vector<16xf32>
    %get3A_356 = arith.constant 96 : index
    %get3A_357 = tpu.vector_load %arg8[%get3A_356] {strides = array<i32>} : memref<128xi32, #tpu.memory_space<vmem>>, vector<16xi32>,
    %convert_element_type3A_358 = arith.sitofp %get3A_357 : vector<16xi32> to vector<16xf32>
    %get3A_359 = arith.constant 96 : index
    %get3A_360 = tpu.vector_load %arg11[%get3A_359] {strides = array<i32>} : memref<128xf32, #tpu.memory_space<vmem>>, vector<16xf32>,
    %get3A_361 = arith.constant 96 : index
    %get3A_362 = tpu.vector_load %arg12[%get3A_361] {strides = array<i32>} : memref<128xf32, #tpu.memory_space<vmem>>, vector<16xf32>,
    %iota3A_363 = tpu.iota {dimensions = array<i32: 0>} : vector<16xi32>
    %mul3A_364 = arith.constant 2 : i32
    %mul3A_365 = vector.broadcast %mul3A_364 : i32 to vector<16xi32>
    %mul3A_366 = arith.muli %iota3A_363, %mul3A_365 : vector<16xi32>
    %add3A_367 = arith.constant 192 : i32
    %add3A_368 = vector.broadcast %add3A_367 : i32 to vector<16xi32>
    %add3A_369 = arith.addi %mul3A_366, %add3A_368 : vector<16xi32>
    %gather3A_370 = tpu.vector_load_idx %arg13[%add3A_369] : memref<256xf32, #tpu.memory_space<vmem>>[vector<16xi32>], vector<16xf32>,
    %add3A_371 = arith.constant 1 : i32
    %add3A_372 = vector.broadcast %add3A_371 : i32 to vector<16xi32>
    %add3A_373 = arith.addi %add3A_369, %add3A_372 : vector<16xi32>
    %gather3A_374 = tpu.vector_load_idx %arg13[%add3A_373] : memref<256xf32, #tpu.memory_space<vmem>>[vector<16xi32>], vector<16xf32>,
    %sub3A_375 = arith.subf %get3A_360, %gather3A_370 : vector<16xf32>
    %abs3A_376 = math.absf %sub3A_375 : vector<16xf32>
    %sub3A_377 = arith.subf %get3A_362, %gather3A_374 : vector<16xf32>
    %abs3A_378 = math.absf %sub3A_377 : vector<16xf32>
    %add3A_379 = arith.addf %abs3A_376, %abs3A_378 : vector<16xf32>
    %mul3A_380 = arith.mulf %convert_element_type3A_358, %add3A_379 : vector<16xf32>
    %add3A_381 = arith.addf %add3A_354, %mul3A_380 : vector<16xf32>
    %add3A_382 = arith.addf %add3A_355, %convert_element_type3A_358 : vector<16xf32>
    %get3A_383 = arith.constant 112 : index
    %get3A_384 = tpu.vector_load %arg8[%get3A_383] {strides = array<i32>} : memref<128xi32, #tpu.memory_space<vmem>>, vector<16xi32>,
    %convert_element_type3A_385 = arith.sitofp %get3A_384 : vector<16xi32> to vector<16xf32>
    %get3A_386 = arith.constant 112 : index
    %get3A_387 = tpu.vector_load %arg11[%get3A_386] {strides = array<i32>} : memref<128xf32, #tpu.memory_space<vmem>>, vector<16xf32>,
    %get3A_388 = arith.constant 112 : index
    %get3A_389 = tpu.vector_load %arg12[%get3A_388] {strides = array<i32>} : memref<128xf32, #tpu.memory_space<vmem>>, vector<16xf32>,
    %iota3A_390 = tpu.iota {dimensions = array<i32: 0>} : vector<16xi32>
    %mul3A_391 = arith.constant 2 : i32
    %mul3A_392 = vector.broadcast %mul3A_391 : i32 to vector<16xi32>
    %mul3A_393 = arith.muli %iota3A_390, %mul3A_392 : vector<16xi32>
    %add3A_394 = arith.constant 224 : i32
    %add3A_395 = vector.broadcast %add3A_394 : i32 to vector<16xi32>
    %add3A_396 = arith.addi %mul3A_393, %add3A_395 : vector<16xi32>
    %gather3A_397 = tpu.vector_load_idx %arg13[%add3A_396] : memref<256xf32, #tpu.memory_space<vmem>>[vector<16xi32>], vector<16xf32>,
    %add3A_398 = arith.constant 1 : i32
    %add3A_399 = vector.broadcast %add3A_398 : i32 to vector<16xi32>
    %add3A_400 = arith.addi %add3A_396, %add3A_399 : vector<16xi32>
    %gather3A_401 = tpu.vector_load_idx %arg13[%add3A_400] : memref<256xf32, #tpu.memory_space<vmem>>[vector<16xi32>], vector<16xf32>,
    %sub3A_402 = arith.subf %get3A_387, %gather3A_397 : vector<16xf32>
    %abs3A_403 = math.absf %sub3A_402 : vector<16xf32>
    %sub3A_404 = arith.subf %get3A_389, %gather3A_401 : vector<16xf32>
    %abs3A_405 = math.absf %sub3A_404 : vector<16xf32>
    %add3A_406 = arith.addf %abs3A_403, %abs3A_405 : vector<16xf32>
    %mul3A_407 = arith.mulf %convert_element_type3A_385, %add3A_406 : vector<16xf32>
    %add3A_408 = arith.addf %add3A_381, %mul3A_407 : vector<16xf32>
    %add3A_409 = arith.addf %add3A_382, %convert_element_type3A_385 : vector<16xf32>
    %swap3A_410 = arith.constant 0 : i32
    %swap3A_411 = arith.index_cast %swap3A_410 : i32 to index
    %swap3A_412 = arith.constant 0 : index
    %swap3A_413 = tpu.vector_load %arg14[%swap3A_411, %swap3A_412] {strides = array<i32>} : memref<2x16xf32, #tpu.memory_space<vmem>>, vector<16xf32>,
    tpu.vector_store %arg14[%swap3A_411, %swap3A_412], %add3A_408 {strides = array<i32>} : memref<2x16xf32, #tpu.memory_space<vmem>>, vector<16xf32>,
    %swap3A_414 = arith.constant 1 : i32
    %swap3A_415 = arith.index_cast %swap3A_414 : i32 to index
    %swap3A_416 = arith.constant 0 : index
    %swap3A_417 = tpu.vector_load %arg14[%swap3A_415, %swap3A_416] {strides = array<i32>} : memref<2x16xf32, #tpu.memory_space<vmem>>, vector<16xf32>,
    tpu.vector_store %arg14[%swap3A_415, %swap3A_416], %add3A_409 {strides = array<i32>} : memref<2x16xf32, #tpu.memory_space<vmem>>, vector<16xf32>,
    "tpu.region"() ({
      %run_scoped3A = tpu.sem_alloc : memref<!tpu.dma_semaphore, #tpu.memory_space<semaphore_mem>>
      %dma_start3A_418 = arith.constant 0 : i32
      %dma_start3A_419 = arith.constant 0 : i32
      %dma_start3A_420 = tpu.memref_slice %arg6[%add3A, %dma_start3A_418, %dma_start3A_419] : memref<16x2x16xf32, #tpu.memory_space<hbm>> -> memref<1x2x16xf32, #tpu.memory_space<hbm>>
      %dma_start3A_421 = tpu.memref_squeeze %dma_start3A_420 : memref<1x2x16xf32, #tpu.memory_space<hbm>> -> memref<2x16xf32, #tpu.memory_space<hbm>>
      %dma_start3A_422 = arith.constant 0 : i32
      %dma_start3A_423 = arith.constant 0 : i32
      %dma_start3A_424 = tpu.memref_slice %arg6[%add3A, %dma_start3A_422, %dma_start3A_423] : memref<16x2x16xf32, #tpu.memory_space<hbm>> -> memref<1x2x16xf32, #tpu.memory_space<hbm>>
      %dma_start3A_425 = tpu.memref_squeeze %dma_start3A_424 : memref<1x2x16xf32, #tpu.memory_space<hbm>> -> memref<2x16xf32, #tpu.memory_space<hbm>>
      tpu.enqueue_dma source(%arg14 : memref<2x16xf32, #tpu.memory_space<vmem>>) target(%dma_start3A_425 : memref<2x16xf32, #tpu.memory_space<hbm>>) target_semaphore(%run_scoped3A : memref<!tpu.dma_semaphore, #tpu.memory_space<semaphore_mem>>)
      %dma_wait3A_426 = arith.constant 0 : i32
      %dma_wait3A_427 = arith.constant 0 : i32
      %dma_wait3A_428 = tpu.memref_slice %arg6[%add3A, %dma_wait3A_426, %dma_wait3A_427] : memref<16x2x16xf32, #tpu.memory_space<hbm>> -> memref<1x2x16xf32, #tpu.memory_space<hbm>>
      %dma_wait3A_429 = tpu.memref_squeeze %dma_wait3A_428 : memref<1x2x16xf32, #tpu.memory_space<hbm>> -> memref<2x16xf32, #tpu.memory_space<hbm>>
      %dma_wait3A_430 = arith.constant 0 : i32
      %dma_wait3A_431 = arith.constant 0 : i32
      %dma_wait3A_432 = tpu.memref_slice %arg6[%add3A, %dma_wait3A_430, %dma_wait3A_431] : memref<16x2x16xf32, #tpu.memory_space<hbm>> -> memref<1x2x16xf32, #tpu.memory_space<hbm>>
      %dma_wait3A_433 = tpu.memref_squeeze %dma_wait3A_432 : memref<1x2x16xf32, #tpu.memory_space<hbm>> -> memref<2x16xf32, #tpu.memory_space<hbm>>
      tpu.wait_dma2 semaphore(%run_scoped3A : memref<!tpu.dma_semaphore, #tpu.memory_space<semaphore_mem>>) src(%arg14 : memref<2x16xf32, #tpu.memory_space<vmem>>) dst(%dma_wait3A_433 : memref<2x16xf32, #tpu.memory_space<hbm>>)
      tpu.yield
    }) : () -> ()
    return
  }
}

module attributes {stable_mosaic.version = 14 : i64} {
  func.func @_mse_body(%arg0: i32, %arg1: memref<8192x128xf32, #tpu.memory_space<vmem>>, %arg2: memref<8192x128xf32, #tpu.memory_space<vmem>>, %arg3: memref<1x1xf32, #tpu.memory_space<smem>>, %arg4: memref<8x128xf32, #tpu.memory_space<vmem>>) attributes {dimension_semantics = [#tpu.dimension_semantics<arbitrary>], iteration_bounds = array<i64: 20>, scalar_prefetch = 0 : i64, scratch_operands = 1 : i64, tpu.core_type = #tpu.core_type<tc>, window_params = [{transform_indices = @transform_0, window_bounds = array<i64: 8192, 128>}, {transform_indices = @transform_1, window_bounds = array<i64: 8192, 128>}, {transform_indices = @transform_2, window_bounds = array<i64: 1, 1>}]} {
    %eq3A = arith.constant 0 : i32
    %eq3A_0 = arith.cmpi eq, %arg0, %eq3A : i32
    %convert_element_type3A = arith.extui %eq3A_0 : i1 to i32
    %cond3A = arith.constant 0 : i32
    %cond3A_1 = arith.cmpi ne, %convert_element_type3A, %cond3A : i32
    scf.if %cond3A_1 {
      %broadcast_in_dim3A = arith.constant 0.000000e+00 : f32
      %broadcast_in_dim3A_18 = vector.broadcast %broadcast_in_dim3A : f32 to vector<8x128xf32>
      %swap3A_19 = arith.constant 0 : index
      %swap3A_20 = arith.constant 0 : index
      %swap3A_21 = vector.load %arg4[%swap3A_19, %swap3A_20] : memref<8x128xf32, #tpu.memory_space<vmem>>, vector<8x128xf32>
      tpu.vector_store %arg4[%swap3A_19, %swap3A_20], %broadcast_in_dim3A_18 {strides = array<i32>} : memref<8x128xf32, #tpu.memory_space<vmem>>, vector<8x128xf32>,
    } else {
    }
    %get3A = arith.constant 0 : index
    %get3A_2 = arith.constant 0 : index
    %get3A_3 = vector.load %arg1[%get3A, %get3A_2] : memref<8192x128xf32, #tpu.memory_space<vmem>>, vector<8192x128xf32>
    %get3A_4 = arith.constant 0 : index
    %get3A_5 = arith.constant 0 : index
    %get3A_6 = vector.load %arg2[%get3A_4, %get3A_5] : memref<8192x128xf32, #tpu.memory_space<vmem>>, vector<8192x128xf32>
    %sub3A = arith.subf %get3A_3, %get3A_6 : vector<8192x128xf32>
    %get3A_7 = arith.constant 0 : index
    %get3A_8 = arith.constant 0 : index
    %get3A_9 = vector.load %arg4[%get3A_7, %get3A_8] : memref<8x128xf32, #tpu.memory_space<vmem>>, vector<8x128xf32>
    %mul3A = arith.mulf %sub3A, %sub3A : vector<8192x128xf32>
    %reshape3A = vector.shape_cast %mul3A : vector<8192x128xf32> to vector<1024x8x128xf32>
    %reduce_sum3A = arith.constant dense<0.000000e+00> : vector<8x128xf32>
    %reduce_sum3A_10 = vector.multi_reduction <add>, %reshape3A, %reduce_sum3A [0] : vector<1024x8x128xf32> to vector<8x128xf32>
    %add3A = arith.addf %get3A_9, %reduce_sum3A_10 : vector<8x128xf32>
    %swap3A = arith.constant 0 : index
    %swap3A_11 = arith.constant 0 : index
    %swap3A_12 = vector.load %arg4[%swap3A, %swap3A_11] : memref<8x128xf32, #tpu.memory_space<vmem>>, vector<8x128xf32>
    tpu.vector_store %arg4[%swap3A, %swap3A_11], %add3A {strides = array<i32>} : memref<8x128xf32, #tpu.memory_space<vmem>>, vector<8x128xf32>,
    %eq3A_13 = arith.constant 19 : i32
    %eq3A_14 = arith.cmpi eq, %arg0, %eq3A_13 : i32
    %convert_element_type3A_15 = arith.extui %eq3A_14 : i1 to i32
    %cond3A_16 = arith.constant 0 : i32
    %cond3A_17 = arith.cmpi ne, %convert_element_type3A_15, %cond3A_16 : i32
    scf.if %cond3A_17 {
      %get3A_18 = arith.constant 0 : index
      %get3A_19 = arith.constant 0 : index
      %get3A_20 = vector.load %arg4[%get3A_18, %get3A_19] : memref<8x128xf32, #tpu.memory_space<vmem>>, vector<8x128xf32>
      %reduce_sum3A_21 = vector.shape_cast %get3A_20 : vector<8x128xf32> to vector<1x8x128xf32>
      %reduce_sum3A_22 = arith.constant dense<0.000000e+00> : vector<1xf32>
      %reduce_sum3A_23 = vector.multi_reduction <add>, %reduce_sum3A_21, %reduce_sum3A_22 [1, 2] : vector<1x8x128xf32> to vector<1xf32>
      %reduce_sum3A_24 = vector.shape_cast %reduce_sum3A_23 : vector<1xf32> to vector<1x1x1xf32>
      %reduce_sum3A_25 = vector.extract %reduce_sum3A_24[0, 0, 0] : f32 from vector<1x1x1xf32>
      %swap3A_26 = arith.constant 0 : index
      %swap3A_27 = arith.constant 0 : index
      %swap3A_28 = memref.load %arg3[%swap3A_26, %swap3A_27] : memref<1x1xf32, #tpu.memory_space<smem>>
      memref.store %reduce_sum3A_25, %arg3[%swap3A_26, %swap3A_27] : memref<1x1xf32, #tpu.memory_space<smem>>
    } else {
    }
    return
  }
  func.func @transform_0(%arg0: i32) -> (i32, i32) {
    %c0_i32 = arith.constant 0 : i32
    %c0_i32_0 = arith.constant 0 : i32
    return %arg0, %c0_i32 : i32, i32
  }
  func.func @transform_1(%arg0: i32) -> (i32, i32) {
    %c0_i32 = arith.constant 0 : i32
    %c0_i32_0 = arith.constant 0 : i32
    return %arg0, %c0_i32 : i32, i32
  }
  func.func @transform_2(%arg0: i32) -> (i32, i32) {
    %c0_i32 = arith.constant 0 : i32
    %c0_i32_0 = arith.constant 0 : i32
    %c0_i32_1 = arith.constant 0 : i32
    return %c0_i32, %c0_i32_0 : i32, i32
  }
}

module attributes {stable_mosaic.version = 14 : i64} {
  func.func @_combine_body(%arg0: memref<1x1xf32, #tpu.memory_space<smem>>, %arg1: memref<16x2x16xf32, #tpu.memory_space<vmem>>, %arg2: memref<1x1xf32, #tpu.memory_space<smem>>, %arg3: memref<1x1xf32, #tpu.memory_space<smem>>, %arg4: memref<1x1xf32, #tpu.memory_space<smem>>) attributes {dimension_semantics = [], scalar_prefetch = 0 : i64, scratch_operands = 0 : i64, tpu.core_type = #tpu.core_type<tc>} {
    %get3A = arith.constant 0 : index
    %get3A_0 = arith.constant 0 : index
    %get3A_1 = memref.load %arg0[%get3A, %get3A_0] : memref<1x1xf32, #tpu.memory_space<smem>>
    %div3A = arith.constant 0x4BA00000 : f32
    %div3A_2 = arith.divf %get3A_1, %div3A : f32
    %get3A_3 = arith.constant 0 : index
    %get3A_4 = arith.constant 0 : index
    %get3A_5 = arith.constant 0 : index
    %get3A_6 = vector.load %arg1[%get3A_3, %get3A_4, %get3A_5] : memref<16x2x16xf32, #tpu.memory_space<vmem>>, vector<16x2x16xf32>
    %slice3A = vector.extract_strided_slice %get3A_6 {offsets = [0, 0, 0], sizes = [16, 1, 16], strides = [1, 1, 1]} : vector<16x2x16xf32> to vector<16x1x16xf32>
    %squeeze3A = vector.shape_cast %slice3A : vector<16x1x16xf32> to vector<16x16xf32>
    %reduce_sum3A = vector.shape_cast %squeeze3A : vector<16x16xf32> to vector<1x16x16xf32>
    %reduce_sum3A_7 = arith.constant dense<0.000000e+00> : vector<1xf32>
    %reduce_sum3A_8 = vector.multi_reduction <add>, %reduce_sum3A, %reduce_sum3A_7 [1, 2] : vector<1x16x16xf32> to vector<1xf32>
    %reduce_sum3A_9 = vector.shape_cast %reduce_sum3A_8 : vector<1xf32> to vector<1x1x1xf32>
    %reduce_sum3A_10 = vector.extract %reduce_sum3A_9[0, 0, 0] : f32 from vector<1x1x1xf32>
    %slice3A_11 = vector.extract_strided_slice %get3A_6 {offsets = [0, 1, 0], sizes = [16, 1, 16], strides = [1, 1, 1]} : vector<16x2x16xf32> to vector<16x1x16xf32>
    %squeeze3A_12 = vector.shape_cast %slice3A_11 : vector<16x1x16xf32> to vector<16x16xf32>
    %reduce_sum3A_13 = vector.shape_cast %squeeze3A_12 : vector<16x16xf32> to vector<1x16x16xf32>
    %reduce_sum3A_14 = arith.constant dense<0.000000e+00> : vector<1xf32>
    %reduce_sum3A_15 = vector.multi_reduction <add>, %reduce_sum3A_13, %reduce_sum3A_14 [1, 2] : vector<1x16x16xf32> to vector<1xf32>
    %reduce_sum3A_16 = vector.shape_cast %reduce_sum3A_15 : vector<1xf32> to vector<1x1x1xf32>
    %reduce_sum3A_17 = vector.extract %reduce_sum3A_16[0, 0, 0] : f32 from vector<1x1x1xf32>
    %mul3A = arith.constant 2.000000e+00 : f32
    %mul3A_18 = arith.mulf %reduce_sum3A_17, %mul3A : f32
    %add3A = arith.constant 9.99999974E-5 : f32
    %add3A_19 = arith.addf %mul3A_18, %add3A : f32
    %div3A_20 = arith.divf %reduce_sum3A_10, %add3A_19 : f32
    %swap3A = arith.constant 0 : index
    %swap3A_21 = arith.constant 0 : index
    %swap3A_22 = memref.load %arg3[%swap3A, %swap3A_21] : memref<1x1xf32, #tpu.memory_space<smem>>
    memref.store %div3A_2, %arg3[%swap3A, %swap3A_21] : memref<1x1xf32, #tpu.memory_space<smem>>
    %swap3A_23 = arith.constant 0 : index
    %swap3A_24 = arith.constant 0 : index
    %swap3A_25 = memref.load %arg4[%swap3A_23, %swap3A_24] : memref<1x1xf32, #tpu.memory_space<smem>>
    memref.store %div3A_20, %arg4[%swap3A_23, %swap3A_24] : memref<1x1xf32, #tpu.memory_space<smem>>
    %mul3A_26 = arith.constant 1.000000e+00 : f32
    %mul3A_27 = arith.mulf %mul3A_26, %div3A_2 : f32
    %mul3A_28 = arith.constant 1.000000e-01 : f32
    %mul3A_29 = arith.mulf %mul3A_28, %div3A_20 : f32
    %add3A_30 = arith.addf %mul3A_27, %mul3A_29 : f32
    %swap3A_31 = arith.constant 0 : index
    %swap3A_32 = arith.constant 0 : index
    %swap3A_33 = memref.load %arg2[%swap3A_31, %swap3A_32] : memref<1x1xf32, #tpu.memory_space<smem>>
    memref.store %add3A_30, %arg2[%swap3A_31, %swap3A_32] : memref<1x1xf32, #tpu.memory_space<smem>>
    return
  }
}

</mosaic_0001>

<sc_bundles>
// kernel: kernel.5.cloned.1.call-start
scs
__scs_entry_jumppad:
0x0: {  	(pc) =	sbr.rel $0x88, $3  }
0x1: {  	(tag) =	ssettag $0x0;
	lr =	simm.s32 $0x1  }
0x2: {  	[smem:$0x3F9B] =	sst lr;
	_ =	strace $0xD0000000  }
0x3: {  	_ = 	snop  }
0x4: {  	_ = 	snop  }
0x5: {  	_ = 	snop  }
0x6: {  	_ = 	snop  }
0x7: {  	_ = 	snop  }
__scs_overlays_trampoline_lowered:
0x8: {  	[smem:$0x3FAA] =	sst s0  }
0x9: {  	[smem:$0x3FAB] =	sst s1  }
0xa: {  	[smem:$0x3FAC] =	sst s2  }
0xb: {  	[smem:$0x3FAD] =	sst s3  }
0xc: {  	[smem:$0x3FAE] =	sst s4  }
0xd: {  	[smem:$0x3FAF] =	sst s5  }
0xe: {  	[smem:$0x3FB0] =	sst s6  }
0xf: {  	[smem:$0x3FB1] =	sst s7  }
0x10: {  	[smem:$0x3FB2] =	sst s8  }
0x11: {  	[smem:$0x3FB3] =	sst s9;
	s0 =	simm.s32 @!p0 $0x0  }
0x12: {  	s1 =	sld [smem:$0x3F99];
	s0 =	simm.s32 @p0 $0x1  }
0x13: {  	[smem:$0x3FB4] =	sst s0;
	s0 =	simm.s32 @!p1 $0x0  }
0x14: {  	s2 =	sld [smem:$0x3F98];
	s0 =	simm.s32 @p1 $0x1  }
0x15: {  	[smem:$0x3FB5] =	sst s0;
	s0 =	simm.s32 @!p2 $0x0  }
0x16: {  	s3 =	sld [smem:$0x3FDB];
	s0 =	simm.s32 @p2 $0x1  }
0x17: {  	s4 =	simm.s32 $0x1BF5;
	[smem:$0x3FB7] =	sst s0  }
0x18: {  	s0 =	sld [smem:$0x3F9A];
	_ =	swait.ge [sflag:s4], $0x0  }
0x19: {  	s7 =	sld [smem:$0x3F9B]  }
0x1a: {  	s8 =	sadd.s32 $0xFFFFE003, lr  }
0x1b: {  	s9 =	sadd.s32 $0xFFFFFEF7, lr;
	s5 =	simm.s32 $0xFFFFFFFF;
	p2 =	slt.u32 s8, $0xFFFFF086  }
0x1c: {  	p1 =	slt.u32 s9, $0xF7A;
	s5 =	simm.s32 @!p2 $0x0  }
0x1d: {  	s5 =	simm.s32 @p1 $0x1;
	p0 =	seq.s32 s7, s2  }
0x1e: {  	s7 =	smul.u32 @!p0 $0xF7A, s2;
	p2 =	seq.s32 @!p0 s5, $0x0  }
0x1f: {  	s9 =	smul.u32 $0xF7A, s1;
	s8 =	simm.s32 @!p0 $0x1BF5;
	p2 =	por !p2, p0  }
0x20: {  	[sflag:s8] =	ssyncset.s32 @!p0 $0xFFFFF086;
	s6 =	sadd.s32 @!p0 s3, s7;
	s7 =	simm.s32 @!p0 $0x108  }
0x21: {  	s3 =	sadd.s32 s3, s9;
	s6 =	sadd.s32 @!p0 $0x88, s6;
	s7 =	simm.s32 @p2 $0x1082  }
0x22: {  	[simem:s7], [sflag:s8] =	dma.local @!p0 [hbm:s6], $0xF7A  }
0x23: {  	s9 =	sor.u32 $0xD0000000, s2;
	s6 =	simm.s32 $0x108;
	_ =	swait.ge @!p0 [sflag:s8], $0x0  }
0x24: {  	s3 =	sadd.s32 $0x88, s3;
	s6 =	simm.s32 @!p1 $0x1082;
	[sflag:s4] =	ssyncset.s32 $0xFFFFF086  }
0x25: {  	[simem:s6], [sflag:s4] =	dma.local [hbm:s3], $0xF7A  }
0x26: {  	[smem:$0x3F9B] =	sst s1;
	(tag) =	ssettag s2;
	_ =	strace s9  }
0x27: {  	s1 =	sld [smem:$0x3FAB]  }
0x28: {  	s2 =	sld [smem:$0x3FAC]  }
0x29: {  	s4 =	sld [smem:$0x3FAE]  }
0x2a: {  	p0 =	seq.s32 s5, $0x0;
	s5 =	sld [smem:$0x3FAF]  }
0x2b: {  	s6 =	sld [smem:$0x3FB0]  }
0x2c: {  	s7 =	sld [smem:$0x3FB1]  }
0x2d: {  	s3 =	simm.s32 $0x108;
	s8 =	sld [smem:$0x3FB2]  }
0x2e: {  	s3 =	simm.s32 @!p0 $0x1082;
	s9 =	sld [smem:$0x3FB3]  }
0x2f: {  	lr =	sadd.s32 s0, s3;
	s0 =	sld [smem:$0x3FAA]  }
0x30: {  	s3 =	sld [smem:$0x3FAD]  }
0x31: {  	[smem:$0x3FB6] =	sst s10  }
0x32: {  	s10 =	sld [smem:$0x3FB4];
	_ =	sdelay $0x3  }
0x33: {  	p0 =	seq.s32 s10, $0x1;
	s10 =	sld [smem:$0x3FB6];
	_ =	sdelay $0x3  }
0x34: {  	[smem:$0x3FB6] =	sst s10  }
0x35: {  	s10 =	sld [smem:$0x3FB5];
	_ =	sdelay $0x3  }
0x36: {  	p1 =	seq.s32 s10, $0x1;
	s10 =	sld [smem:$0x3FB6];
	_ =	sdelay $0x3  }
0x37: {  	[smem:$0x3FB6] =	sst s10  }
0x38: {  	s10 =	sld [smem:$0x3FB7]  }
0x39: {  	_ = 	snop;
	(pc) =	sbr.ind lr, $3  }
0x3a: {  	_ = 	snop  }
0x3b: {  	_ = 	snop  }
0x3c: {  	p2 =	seq.s32 s10, $0x1;
	s10 =	sld [smem:$0x3FB6]  }
0x3d: {  	_ =	shalt  }
0x3e: {  	_ =	shalt  }
0x3f: {  	_ =	shalt  }
0x40: {  	_ =	shalt  }
0x41: {  	_ =	shalt  }
0x42: {  	_ =	shalt  }
0x43: {  	_ =	shalt  }
0x44: {  	_ =	shalt  }
0x45: {  	_ =	shalt  }
0x46: {  	_ =	shalt  }
0x47: {  	_ =	shalt  }
0x48: {  	_ =	shalt  }
0x49: {  	_ =	shalt  }
0x4a: {  	_ =	shalt  }
0x4b: {  	_ =	shalt  }
0x4c: {  	_ =	shalt  }
0x4d: {  	_ =	shalt  }
0x4e: {  	_ =	shalt  }
0x4f: {  	_ =	shalt  }
0x50: {  	_ =	shalt  }
0x51: {  	_ =	shalt  }
0x52: {  	_ =	shalt  }
0x53: {  	_ =	shalt  }
0x54: {  	_ =	shalt  }
0x55: {  	_ =	shalt  }
0x56: {  	_ =	shalt  }
0x57: {  	_ =	shalt  }
0x58: {  	_ =	shalt  }
0x59: {  	_ =	shalt  }
0x5a: {  	_ =	shalt  }
0x5b: {  	_ =	shalt  }
0x5c: {  	_ =	shalt  }
0x5d: {  	_ =	shalt  }
0x5e: {  	_ =	shalt  }
0x5f: {  	_ =	shalt  }
0x60: {  	_ =	shalt  }
0x61: {  	_ =	shalt  }
0x62: {  	_ =	shalt  }
0x63: {  	_ =	shalt  }
0x64: {  	_ =	shalt  }
0x65: {  	_ =	shalt  }
0x66: {  	_ =	shalt  }
0x67: {  	_ =	shalt  }
0x68: {  	_ =	shalt  }
0x69: {  	_ =	shalt  }
0x6a: {  	_ =	shalt  }
0x6b: {  	_ =	shalt  }
0x6c: {  	_ =	shalt  }
0x6d: {  	_ =	shalt  }
0x6e: {  	_ =	shalt  }
0x6f: {  	_ =	shalt  }
0x70: {  	_ =	shalt  }
0x71: {  	_ =	shalt  }
0x72: {  	_ =	shalt  }
0x73: {  	_ =	shalt  }
0x74: {  	_ =	shalt  }
0x75: {  	_ =	shalt  }
0x76: {  	_ =	shalt  }
0x77: {  	_ =	shalt  }
0x78: {  	_ =	shalt  }
0x79: {  	_ =	shalt  }
0x7a: {  	_ =	shalt  }
0x7b: {  	_ =	shalt  }
0x7c: {  	_ =	shalt  }
0x7d: {  	_ =	shalt  }
0x7e: {  	_ =	shalt  }
0x7f: {  	_ =	shalt  }
0x80: {  	_ =	shalt  }
0x81: {  	_ =	shalt  }
0x82: {  	_ =	shalt  }
0x83: {  	_ =	shalt  }
0x84: {  	_ =	shalt  }
0x85: {  	_ =	shalt  }
0x86: {  	_ =	shalt  }
0x87: {  	_ =	shalt  }
.Lfunc_end0:
.L_simem_size_0:
called_computation_lowered:
.L_overlay_start_0:
0x88: {  	s0 =	sld [smem:$0x3FD9]  }
0x89: {  	s1 =	sld [smem:$0x3FFE];
	_ =	sdelay $0x3  }
0x8a: {  	s0 =	sadd.s32 s1, s0  }
0x8b: {  	[smem:$0x3FC2] =	sst s0  }
0x8c: {  	_ = 	snop  }
0x8d: {  	s0 =	sld [smem:$0x3FC6]  }
0x8e: {  	s16 =	sld [smem:$0x3FC5]  }
0x8f: {  	s2 =	sld [smem:$0x3FC4];
	(tm) =	ssettm $0x1  }
0x90: {  	s3 =	sld [smem:$0x3FFB];
	_ =	sdelay $0x3  }
0x91: {  	_ =	strace s3  }
0x92: {  	s3 =	sld [smem:$0x3FFC];
	_ =	sdelay $0x3  }
0x93: {  	_ =	strace s3  }
0x94: {  	s3 =	sld [smem:$0x3FFD];
	_ =	sdelay $0x3  }
0x95: {  	_ =	strace s3  }
0x96: {  	_ =	strace $0x8FFFFFFF  }
0x97: {  	s17 =	sld [smem:$0x3FDB];
	_ =	sdelay $0x1  }
0x98: {  	s4 =	simm.s32 $_scs_section_size  }
0x99: {  	s5 =	simm.s32 $_size__tile_overlayer_lowered;
	s6 =	simm.s32 $_tile_overlayer_lowered  }
0x9a: {  	s20 =	simm.s32 $0x1BFF;
	s19 =	sshll.u32 s6, $0x1;
	s3 =	sadd.s32 s4, s17  }
0x9b: {  	s7 =	simm.s32 $0x0;
	s18 =	sshll.u32 s5, $0x1;
	s5 =	sadd.s32 s19, s3  }
0x9c: {  	[timem:s7], [sflag:s20] =	dma.local [hbm:s5], s18  }
0x9d: {  	_ =	swait.ge [sflag:s20], s18  }
0x9e: {  	s4 =	ssub.s32 $0x0, s18;
	[sflag:s20] =	ssyncset.done $0x0  }
0x9f: {  	[sflag:s20] =	ssyncadd.s32 s4;
	_ =	sdelay $0x1  }
0xa0: {  	s21 =	simm.s32 $0x1B8B  }
0xa1: {  	_ =	swait.ge [sflag:s21], $0x1  }
0xa2: {  	[sflag:s21] =	ssyncset.done $0x0  }
0xa3: {  	s23 =	simm.s32 $0x1B8E;
	s22 =	sld [smem:$0x3FFE];
	[sflag:s21] =	ssyncadd.s32 $0xFFFFFFFF  }
0xa4: {  	s24 =	simm.s32 $execute0_lowered;
	[smem:$0x3FD2] =	sst s23  }
0xa5: {  	s5 =	sshll.u32 s24, $0x1;
	_ =	strace $0x80000046;
	[dreg:$0x1] =	wrdreg $0xFFFFFFFF  }
0xa6: {  	s25 =	simm.s32 $_size_execute0_lowered;
	s3 =	sadd.s32 s3, s5;
	[dreg:$0x0] =	wrdreg $0x0  }
0xa7: {  	s5 =	sshll.u32 s25, $0x1;
	[dreg:$0x2] =	wrdreg s3  }
0xa8: {  	[dreg:$0x3] =	wrdreg s5  }
0xa9: {  	[dreg:$0x4] =	wrdreg $0xC0  }
0xaa: {  	_ =	task [dreg:s7], $0x5FFFF  }
0xab: {  	[dreg:$0x1] =	wrdreg $0xFFFFFFFF  }
0xac: {  	[dreg:$0x0] =	wrdreg $0x60  }
0xad: {  	[dreg:$0x2] =	wrdreg s0  }
0xae: {  	[dreg:$0x3] =	wrdreg s2  }
0xaf: {  	[dreg:$0x4] =	wrdreg s16  }
0xb0: {  	[dreg:$0x5] =	wrdreg s22  }
0xb1: {  	[dreg:$0x6] =	wrdreg $0x9  }
0xb2: {  	_ =	task.clear_ibuf [dreg:s7], $0x7FFFF;
	_ =	strace $0x90000046  }
0xb3: {  	s26 =	simm.s32 $0x9;
	_ =	strace $0x80000048  }
0xb4: {  	_ =	swait.ge [sflag:s26], $0x1  }
0xb5: {  	[sflag:s26] =	ssyncadd.s32 $0xFFFFFFFF  }
0xb6: {  	_ =	strace $0x90000048  }
0xb7: {  	_ =	sfence  }
0xb8: {  	s28 =	sld [smem:$0x0];
	_ =	sdelay $0x1  }
0xb9: {  	s29 =	srdreg.scid  }
0xba: {  	s30 =	sshll.u32 s29, $0xD;
	s31 =	sshrl.u32 s29, $0x2  }
0xbb: {  	s1 =	sand.u32 $0x1, s29;
	s2 =	sand.u32 $0x4000, s30;
	s0 =	sadd.s32 s31, s28  }
0xbc: {  	s1 =	sor.u32 s2, s1;
	s0 =	sshll.u32 s0, $0x11  }
0xbd: {  	s0 =	sor.u32 s0, s1  }
0xbe: {  	s0 =	sadd.s32 $0x8F2B, s0  }
0xbf: {  	[sflag:s0] =	ssyncadd.remote.s32 $0x1  }
0xc0: {  	_ =	sfence.sel $0xFFFF  }
0xc1: {  	[dreg:$0x0] =	wrdreg $0xFFFFFFFF;
	(pc) =	sbr.abs _section_cstart, $3  }
0xc2: {  	[dreg:$0x1] =	wrdreg $0xFFFFFFFF  }
0xc3: {  	_ =	task.clear_ibuf [dreg:s7], $0x2FFFF;
	_ =	strace $0x9FFFFFFF  }
0xc4: {  	(tm) =	ssettm $0x7FFFFFFF  }
0xc5: {  	_ =	shalt  }
tec
execute0_lowered:
.L_overlay_start_1:
0x0: {  	(tag) =	ssettag $0x1  }
0x1: {  	s5 =	rddreg [dreg:$0x0]  }
0x2: {  	s3 =	rddreg [dreg:$0x1]  }
0x3: {  	s4 =	rddreg [dreg:$0x2]  }
0x4: {  	s6 =	rddreg [dreg:$0x3]  }
0x5: {  	s0 =	rddreg [dreg:$0x4];
	s2 =	simm.s32 $0x0;
	s1 =	stileid.u32  }
0x6: {  	[smem:$0x7FF] =	sst s2;
	s7 =	sshll.u32 s1, $0x4  }
0x7: {  	s8 =	sshll.u32 s1, $0x5;
	_ =	strace $0x80000047;
	s3 =	sadd.s32 s3, s7  }
0x8: {  	[tilespmem:s2], [sflag:$0x1] =	stream.linear.gather [hbm4b:s3+s2], $0x80, $0x38;
	[tilespmem:$0x500] =	vst v63  }
0x9: {  	s16 =	simm.s32 $0x80;
	s15 =	sadd.s32 s8, s6;
	s4 =	sadd.s32 s4, s7  }
0xa: {  	[tilespmem:s16], [sflag:$0x2] =	stream.linear.gather [hbm4b:s4+s2], $0x80, $0x38;
	[tilespmem:$0x500] =	vst v63  }
0xb: {  	s18 =	simm.s32 $0x300;
	s19 =	simm.s32 $0x1;
	s17 =	sadd.s32 $0x800, s15  }
0xc: {  	[tilespmem:s18], [sflag:$0x3] =	stream.linear.gather [hbm4b:s17+s2], $0x100, $0x38;
	[tilespmem:$0x500] =	vst v63  }
0xd: {  	_ =	swait.ge [sflag:s19], $0x80  }
0xe: {  	[sflag:s19] =	ssyncset.done $0x0  }
0xf: {  	s20 =	sshll.u32 s1, $0x7;
	[sflag:s19] =	ssyncadd.s32 $0xFFFFFF80  }
0x10: {  	v0 =	vmov s20;
	v1 =	vld [tilespmem:$0x0]  }
0x11: {  	v0 =	vshrl.u32 v0, $0x7  }
0x12: {  	v0 =	vshll.u32 v0, $0xF;
	v2 =	vld [tilespmem:$0x10]  }
0x13: {  	v0 =	vbroadcast v0, $0x0  }
0x14: {  	v3 =	vld [tilespmem:$0x20]  }
0x15: {  	v4 =	vor.u32 $0x4000, v0;
	v5 =	vadd.s32 v0, v1  }
0x16: {  	v38 =	vld [tilespmem:$0x30];
	v1 =	vadd.s32 v1, v4;
	[tilespmem:$0x100] =	vst v5  }
0x17: {  	v39 =	vadd.s32 v0, v2;
	[tilespmem:$0x180] =	vst v1  }
0x18: {  	v41 =	vld [tilespmem:$0x40];
	v40 =	vadd.s32 v2, v4;
	[tilespmem:$0x110] =	vst v39  }
0x19: {  	v42 =	vadd.s32 v0, v3;
	[tilespmem:$0x190] =	vst v40  }
0x1a: {  	v44 =	vld [tilespmem:$0x50];
	v43 =	vadd.s32 v3, v4;
	[tilespmem:$0x120] =	vst v42  }
0x1b: {  	v45 =	vadd.s32 v0, v38;
	[tilespmem:$0x1A0] =	vst v43  }
0x1c: {  	v47 =	vld [tilespmem:$0x60];
	v46 =	vadd.s32 v38, v4;
	[tilespmem:$0x130] =	vst v45  }
0x1d: {  	v48 =	vadd.s32 v0, v41;
	[tilespmem:$0x1B0] =	vst v46  }
0x1e: {  	v50 =	vld [tilespmem:$0x70];
	v49 =	vadd.s32 v41, v4;
	[tilespmem:$0x140] =	vst v48  }
0x1f: {  	v51 =	vadd.s32 v0, v44;
	[tilespmem:$0x1C0] =	vst v49  }
0x20: {  	v52 =	vadd.s32 v44, v4;
	[tilespmem:$0x150] =	vst v51  }
0x21: {  	v53 =	vadd.s32 v0, v47;
	[tilespmem:$0x1D0] =	vst v52  }
0x22: {  	v54 =	vadd.s32 v47, v4;
	[tilespmem:$0x160] =	vst v53  }
0x23: {  	v0 =	vadd.s32 v0, v50;
	[tilespmem:$0x1E0] =	vst v54  }
0x24: {  	v55 =	vadd.s32 v50, v4;
	[tilespmem:$0x170] =	vst v0  }
0x25: {  	s21 =	simm.s32 $0x100;
	s22 =	simm.s32 $0x200;
	[tilespmem:$0x1F0] =	vst v55  }
0x26: {  	[tilespmem:s22], [sflag:$0x4] =	stream.indirect.gather [hbm4b:s5+s16], $0x1, s21, s16, $0xb8;
	[tilespmem:$0x500] =	vst v63  }
0x27: {  	s23 =	simm.s32 $0x180;
	s24 =	simm.s32 $0x280;
	s25 =	simm.s32 $0x2  }
0x28: {  	[tilespmem:s24], [sflag:$0x5] =	stream.indirect.gather [hbm4b:s5+s16], $0x1, s23, s16, $0xb8;
	[tilespmem:$0x500] =	vst v63  }
0x29: {  	_ =	swait.ge [sflag:s25], $0x80  }
0x2a: {  	[sflag:s25] =	ssyncset.done $0x0  }
0x2b: {  	s26 =	simm.s32 $0x3;
	[sflag:s25] =	ssyncadd.s32 $0xFFFFFF80  }
0x2c: {  	_ =	swait.ge [sflag:s26], $0x100  }
0x2d: {  	[sflag:s26] =	ssyncset.done $0x0  }
0x2e: {  	s28 =	simm.s32 $0x4;
	[sflag:s26] =	ssyncadd.s32 $0xFFFFFF00  }
0x2f: {  	_ =	swait.ge [sflag:s28], $0x80  }
0x30: {  	[sflag:s28] =	ssyncset.done $0x0  }
0x31: {  	s29 =	simm.s32 $0x5;
	v56 =	vlaneseq.u32;
	[sflag:s28] =	ssyncadd.s32 $0xFFFFFF80  }
0x32: {  	v0 =	vmul.u32 $0x2, v56;
	_ =	swait.ge [sflag:s29], $0x80  }
0x33: {  	[sflag:s29] =	ssyncset.done $0x0  }
0x34: {  	v57 =	vor.u32 $0x1, v0;
	[sflag:s29] =	ssyncadd.s32 $0xFFFFFF80  }
0x35: {  	v58 =	vld [tilespmem:$0x80]  }
0x36: {  	v59 =	vld [tilespmem:$0x200]  }
0x37: {  	v60 =	vld [tilespmem:$0x280]  }
0x38: {  	v6 =	vor.u32 $0x20, v0;
	v61 =	vld.idx.msk [tilespmem:v0+s18+$0x0], $0xffff  }
0x39: {  	v7 =	vor.u32 $0x21, v0;
	v1 =	vld.idx.msk [tilespmem:v57+s18+$0x0], $0xffff  }
0x3a: {  	v8 =	vld [tilespmem:$0x90]  }
0x3b: {  	v9 =	vld [tilespmem:$0x210]  }
0x3c: {  	v10 =	vld [tilespmem:$0x290]  }
0x3d: {  	v11 =	vor.u32 $0x40, v0;
	v6 =	vld.idx.msk [tilespmem:v6+s18+$0x0], $0xffff  }
0x3e: {  	v12 =	vor.u32 $0x41, v0;
	v7 =	vld.idx.msk [tilespmem:v7+s18+$0x0], $0xffff  }
0x3f: {  	v13 =	vld [tilespmem:$0xA0]  }
0x40: {  	v14 =	vld [tilespmem:$0x220]  }
0x41: {  	v15 =	vld [tilespmem:$0x2A0]  }
0x42: {  	v16 =	vor.u32 $0x60, v0;
	v11 =	vld.idx.msk [tilespmem:v11+s18+$0x0], $0xffff  }
0x43: {  	v17 =	vor.u32 $0x61, v0;
	v12 =	vld.idx.msk [tilespmem:v12+s18+$0x0], $0xffff  }
0x44: {  	v18 =	vld [tilespmem:$0xB0]  }
0x45: {  	v19 =	vld [tilespmem:$0x230]  }
0x46: {  	v28 =	vor.u32 $0x80, v0;
	v62 =	vld [tilespmem:$0x2B0]  }
0x47: {  	v63 =	vld.idx.msk [tilespmem:v16+s18+$0x0], $0xffff  }
0x48: {  	v17 =	vld.idx.msk [tilespmem:v17+s18+$0x0], $0xffff  }
0x49: {  	v21 =	vor.u32 $0xA0, v0;
	v29 =	vld [tilespmem:$0xC0]  }
0x4a: {  	v30 =	vld [tilespmem:$0x240]  }
0x4b: {  	v24 =	vor.u32 $0xC1, v0;
	v16 =	vld.idx.msk [tilespmem:v28+s18+$0x0], $0xffff  }
0x4c: {  	v22 =	vld [tilespmem:$0xD0]  }
0x4d: {  	v20 =	vor.u32 $0x81, v0;
	v33 =	vor.u32 $0xA1, v0;
	v23 =	vld [tilespmem:$0x250]  }
0x4e: {  	v35 =	vor.u32 $0xC0, v0;
	v42 =	vor.u32 $0xE0, v0;
	v21 =	vld.idx.msk [tilespmem:v21+s18+$0x0], $0xffff;
	v3 =	vsub.f32 v59, v61  }
0x4f: {  	v41 =	vld [tilespmem:$0x2E0];
	v0 =	vor.u32 $0xE1, v0;
	v1 =	vsub.f32 v60, v1;
	v6 =	vsub.f32 v9, v6  }
0x50: {  	v43 =	vld.idx.msk [tilespmem:v24+s18+$0x0], $0xffff;
	v2 =	vcvt.s32.f32 v58;
	v7 =	vsub.f32 v10, v7;
	v11 =	vsub.f32 v14, v11  }
0x51: {  	v53 =	vld [tilespmem:$0xE0];
	v8 =	vcvt.s32.f32 v8;
	v12 =	vsub.f32 v15, v12;
	v5 =	vsub.f32 v19, v63  }
0x52: {  	v57 =	vld [tilespmem:$0xF0];
	v39 =	vcvt.s32.f32 v13;
	v4 =	vsub.f32 v62, v17;
	v9 =	vsub.f32 v30, v16  }
0x53: {  	v34 =	vld [tilespmem:$0x2D0];
	v44 =	vcvt.s32.f32 v18;
	v3 =	vand.u32 $0x7FFFFFFF, v3;
	v1 =	vand.u32 $0x7FFFFFFF, v1  }
0x54: {  	v38 =	vld.idx.msk [tilespmem:v33+s18+$0x0], $0xffff;
	v49 =	vsub.f32 v23, v21;
	v56 =	vcvt.s32.f32 v22;
	v1 =	vadd.f32 v1, v3  }
0x55: {  	v31 =	vld [tilespmem:$0x2C0];
	v10 =	vsub.f32 v41, v43;
	v6 =	vand.u32 $0x7FFFFFFF, v6;
	v7 =	vand.u32 $0x7FFFFFFF, v7  }
0x56: {  	v32 =	vld.idx.msk [tilespmem:v20+s18+$0x0], $0xffff;
	v60 =	vcvt.s32.f32 v53;
	v6 =	vadd.f32 v7, v6;
	v1 =	vmul.f32 v2, v1  }
0x57: {  	v45 =	vld [tilespmem:$0x270];
	v62 =	vcvt.s32.f32 v57;
	v36 =	vand.u32 $0x7FFFFFFF, v11;
	v37 =	vand.u32 $0x7FFFFFFF, v12  }
0x58: {  	v48 =	vld.idx.msk [tilespmem:v42+s18+$0x0], $0xffff;
	v5 =	vand.u32 $0x7FFFFFFF, v5;
	v6 =	vmul.f32 v8, v6;
	v1 =	vadd.f32 $0.0e+00, v1  }
0x59: {  	v40 =	vld [tilespmem:$0x260];
	v4 =	vand.u32 $0x7FFFFFFF, v4;
	v46 =	vand.u32 $0x7FFFFFFF, v9;
	v12 =	vsub.f32 v34, v38  }
0x5a: {  	v15 =	vld.idx.msk [tilespmem:v35+s18+$0x0], $0xffff;
	v51 =	vand.u32 $0x7FFFFFFF, v49;
	v1 =	vadd.f32 v6, v1;
	v6 =	vadd.f32 v37, v36  }
0x5b: {  	v47 =	vld [tilespmem:$0x2F0];
	v58 =	vand.u32 $0x7FFFFFFF, v10;
	v7 =	vsub.f32 v31, v32;
	v2 =	vadd.f32 v8, v2  }
0x5c: {  	v0 =	vld.idx.msk [tilespmem:v0+s18+$0x0], $0xffff;
	v4 =	vadd.f32 v4, v5;
	v3 =	vcvt.s32.f32 v29;
	v6 =	vmul.f32 v39, v6  }
0x5d: {  	v5 =	vsub.f32 v45, v48;
	v7 =	vand.u32 $0x7FFFFFFF, v7;
	v2 =	vadd.f32 v39, v2  }
0x5e: {  	v4 =	vmul.f32 v44, v4;
	v7 =	vadd.f32 v7, v46;
	v1 =	vadd.f32 v6, v1  }
0x5f: {  	v52 =	vand.u32 $0x7FFFFFFF, v12;
	v55 =	vsub.f32 v40, v15;
	v2 =	vadd.f32 v44, v2  }
0x60: {  	v54 =	vadd.f32 v52, v51;
	v50 =	vmul.f32 v3, v7;
	v1 =	vadd.f32 v4, v1  }
0x61: {  	v0 =	vsub.f32 v47, v0;
	v2 =	vadd.f32 v3, v2;
	v6 =	vand.u32 $0x7FFFFFFF, v55  }
0x62: {  	v59 =	vadd.f32 v58, v6;
	v4 =	vmul.f32 v56, v54;
	v1 =	vadd.f32 v50, v1  }
0x63: {  	v61 =	vand.u32 $0x7FFFFFFF, v5;
	v0 =	vand.u32 $0x7FFFFFFF, v0;
	v2 =	vadd.f32 v56, v2  }
0x64: {  	v0 =	vadd.f32 v0, v61;
	v3 =	vmul.f32 v60, v59;
	v1 =	vadd.f32 v4, v1  }
0x65: {  	v2 =	vadd.f32 v60, v2  }
0x66: {  	v0 =	vmul.f32 v62, v0;
	v1 =	vadd.f32 v3, v1  }
0x67: {  	v63 =	vadd.f32 v62, v2  }
0x68: {  	v0 =	vadd.f32 v0, v1  }
0x69: {  	[tilespmem:$0x480] =	vst v63  }
0x6a: {  	s30 =	simm.s32 $0x400;
	s31 =	simm.s32 $0x6;
	s3 =	sadd.s32 $0xA00, s15;
	[tilespmem:$0x400] =	vst v0  }
0x6b: {  	[hbm4b:s3+s2] =	stream.linear.scatter [tilespmem:s30], [sflag:$0x6], $0x100, $0x38;
	[tilespmem:$0x500] =	vst v63  }
0x6c: {  	_ =	swait.ge [sflag:s31], $0x100  }
0x6d: {  	[sflag:s31] =	ssyncset.done $0x0  }
0x6e: {  	[sflag:s31] =	ssyncadd.s32 $0xFFFFFF00  }
0x6f: {  	_ =	sfence.sel $0x180000  }
0x70: {  	[bflag:$0x0] =	sbarrier.arrive $0xFFFF  }
0x71: {  	p0 =	sne.s32 s1, $0x0;
	_ =	strace $0x90000047  }
0x72: {  	s0 =	sadd.s32 @!p0 $0x100000, s0;
	[bflag:$0x2] =	sbarrier.arrive $0xFFFF  }
0x73: {  	[sflag:s0] =	ssyncadd.tile.s32 @!p0 $0x1;
	_ =	shalt  }
.Lfunc_end2:
_tile_overlayer_lowered:
.L_overlay_start_2:
0x74: {  	(tag) =	ssettag $0x2  }
0x75: {  	s0 =	rddreg [dreg:$0x0];
	s2 =	stileid.u32  }
0x76: {  	s1 =	rddreg [dreg:$0x1];
	p0 =	sne.s32 s2, $0x0  }
0x77: {  	s3 =	rddreg [dreg:$0x2];
	[bflag:$0x3] =	sbarrier.arrive $0xFFFF;
	s2 =	simm.s32 @!p0 $0x1C06  }
0x78: {  	[timem:s3], [sflag:s2] =	dma.local @!p0 [hbm:s0], s1  }
0x79: {  	s0 =	simm.s32 @!p0 $0x6  }
0x7a: {  	_ =	swait.ge @!p0 [sflag:s0], s1  }
0x7b: {  	s1 =	ssub.s32 @!p0 $0x0, s1;
	[sflag:s0] =	ssyncset.done @!p0 $0x0  }
0x7c: {  	[sflag:s0] =	ssyncadd.s32 @!p0 s1  }
0x7d: {  	[bflag:$0x3] =	sbarrier.arrive $0xFFFF  }
0x7e: {  	_ =	shalt  }

</sc_bundles>
